<compile_context>
chip_gen: v7x
topology: tpu7x:2x2x1
jax: 0.10.2.dev20260603
libtpu: 0.0.44.dev20260713+nightly
codegen_flags: <defaults>
</compile_context>

<pallas_src>
import functools

import jax
import jax.numpy as jnp
from jax import lax
from jax.experimental import pallas as pl
from jax.experimental.pallas import tpu as pltpu
from jax.experimental.pallas import tpu_sc as plsc

_NC = 2
_NS = 16
_NW = _NC * _NS
_RING = 6
_DEPTH = 4


def _sc_gather_wn(out_emb, window, neg):
    vocab, emb = out_emb.shape
    b, w = window.shape
    n = neg.shape[1]
    wn = w + n
    bw = b // _NW
    half = bw // 2
    jobs = 2 * wn
    assert emb == 64 and b % (2 * _NW) == 0

    mesh = plsc.VectorSubcoreMesh(core_axis_name="c", subcore_axis_name="s")

    @functools.partial(
        pl.kernel,
        mesh=mesh,
        out_type=jax.ShapeDtypeStruct((_NW, wn, half, 128), jnp.float32),
        scratch_types=[
            pltpu.VMEM((bw, w), jnp.int32),
            pltpu.VMEM((bw, n), jnp.int32),
            pltpu.VMEM((jobs * half,), jnp.int32),
            pltpu.VMEM((_RING, bw, 64), jnp.float32),
            pltpu.SemaphoreType.DMA((_RING,)),
            pltpu.SemaphoreType.DMA((_RING,)),
        ],
        compiler_params=pltpu.CompilerParams(use_tc_tiling_on_sc=False, needs_layout_passes=False),
    )
    def k(out_hbm, win_hbm, neg_hbm, x4,
          win_v, neg_v, idxa_v, rows_v, gsem, wsem):
        wid = lax.axis_index("s") * _NC + lax.axis_index("c")
        b0 = wid * bw

        pltpu.sync_copy(win_hbm.at[pl.ds(b0, bw), :], win_v)
        pltpu.sync_copy(neg_hbm.at[pl.ds(b0, bw), :], neg_v)

        lane = lax.broadcasted_iota(jnp.int32, (16,), 0)

        def rearr(g, _):
            kk = g // 2
            par = g - 2 * kk
            col = jnp.full((16,), kk, jnp.int32)
            coln = jnp.full((16,), kk - w, jnp.int32)
            for q in range(half // 16):
                rows = lane * 2 + (32 * q + par)
                @pl.when(kk < w)
                def _():
                    vals = plsc.load_gather(win_v, [rows, col])
                    idxa_v[pl.ds(g * half + 16 * q, 16)] = _remap(vals)
                @pl.when(kk >= w)
                def _():
                    vals = plsc.load_gather(neg_v, [rows, coln])
                    idxa_v[pl.ds(g * half + 16 * q, 16)] = _remap(vals)
            return 0

        lax.fori_loop(0, jobs, rearr, 0)

        def issue(j):
            slot = lax.rem(j, _RING)
            pltpu.async_copy(
                out_hbm.at[idxa_v.at[pl.ds(j * bw, bw)]],
                rows_v.at[slot], gsem.at[slot])

        def gwait(j):
            slot = lax.rem(j, _RING)
            pltpu.make_async_copy(
                out_hbm.at[idxa_v.at[pl.ds(j * bw, bw)]],
                rows_v.at[slot], gsem.at[slot]).wait()

        def wissue(j):
            slot = lax.rem(j, _RING)
            for par in range(2):
                pltpu.async_copy(
                    rows_v.at[slot, pl.ds(half * par, half)],
                    x4.at[wid, j, :, pl.ds(64 * par, 64)], wsem.at[slot])

        def wwait(slot):
            for _ in range(2):
                pltpu.make_async_copy(
                    rows_v.at[slot, pl.ds(0, half)],
                    x4.at[wid, 0, :, pl.ds(0, 64)], wsem.at[slot]).wait()

        for p in range(_DEPTH):
            issue(p)

        def body(j, _):
            nx = j + _DEPTH
            @pl.when(nx < wn)
            def _():
                @pl.when(nx >= _RING)
                def _():
                    wwait(lax.rem(nx, _RING))
                issue(nx)
            gwait(j)
            wissue(j)
            return 0

        lax.fori_loop(0, wn, body, 0)
        for s in range(_RING):
            wwait(s)

    return k(out_emb, window, neg)


def _sc_gather_c(in_emb, centor):
    vocab, emb = in_emb.shape
    (b,) = centor.shape
    bw = b // _NW
    half = bw // 2

    mesh = plsc.VectorSubcoreMesh(core_axis_name="c", subcore_axis_name="s")

    @functools.partial(
        pl.kernel,
        mesh=mesh,
        out_type=jax.ShapeDtypeStruct((_NW, half, 128), jnp.float32),
        scratch_types=[
            pltpu.VMEM((bw,), jnp.int32),
            pltpu.VMEM((bw,), jnp.int32),
            pltpu.VMEM((2, half, 64), jnp.float32),
            pltpu.SemaphoreType.DMA((2,)),
        ],
        compiler_params=pltpu.CompilerParams(use_tc_tiling_on_sc=False, needs_layout_passes=False),
    )
    def k(in_hbm, cen_hbm, c3, cen_v, cidx_v, crow_v, csem):
        wid = lax.axis_index("s") * _NC + lax.axis_index("c")
        b0 = wid * bw
        pltpu.sync_copy(cen_hbm.at[pl.ds(b0, bw)], cen_v)

        lane = lax.broadcasted_iota(jnp.int32, (16,), 0)
        for par in range(2):
            for q in range(half // 16):
                rows = lane * 2 + (32 * q + par)
                cidx_v[pl.ds(par * half + 16 * q, 16)] = _remap(
                    plsc.load_gather(cen_v, [rows]))
        for par in range(2):
            pltpu.async_copy(
                in_hbm.at[cidx_v.at[pl.ds(par * half, half)]],
                crow_v.at[par], csem.at[par]).wait()
            pltpu.sync_copy(crow_v.at[par],
                            c3.at[wid, :, pl.ds(64 * par, 64)])

    return k(in_emb, centor)


_FBLK = 8192
_FSH = 13


def _remap(r):
    blk = r >> _FSH
    q = r & (_FBLK - 1)
    return (blk << _FSH) + ((q & (_FBLK // 2 - 1)) << 1) + (q >> (_FSH - 1))


def _tc_format(table):
    v, e = table.shape
    tt = table.T
    blk = _FBLK
    grid = pl.cdiv(v, blk)
    vp = grid * blk

    def body(x_ref, o_ref):
        xt = x_ref[...].T
        o_ref[...] = jnp.concatenate([xt[: blk // 2], xt[blk // 2:]], axis=1)

    t2 = pl.pallas_call(
        body,
        grid=(grid,),
        in_specs=[pl.BlockSpec((e, blk), lambda i: (0, i))],
        out_specs=pl.BlockSpec((blk * e // 128, 128), lambda i: (i, 0)),
        out_shape=jax.ShapeDtypeStruct((vp * e // 128, 128), jnp.float32),
    )(tt)
    return t2.reshape(vp, e)


def _log_sigmoid(x):
    return jnp.minimum(x, 0.0) - jnp.log1p(jnp.exp(-jnp.abs(x)))


def _tc_stats(c3, x4, w, n):
    nwk = c3.shape[0]
    half = c3.shape[1]
    wn = w + n

    def body(c_ref, x_ref, lp_ref, ln_ref, d0_ref, d1_ref):
        c = c_ref[0]
        x = x_ref[0]
        prod = x * c[None, :, :]
        d0_ref[...] = jnp.sum(prod[:, :, :64], axis=-1)
        d1_ref[...] = jnp.sum(prod[:, :, 64:], axis=-1)
        d0 = d0_ref[...]
        d1 = d1_ref[...]
        krow = lax.broadcasted_iota(jnp.int32, (wn, half), 0)
        is_w = krow < w
        sgn = jnp.where(is_w, 1.0, -1.0)
        ls0 = _log_sigmoid(d0 * sgn)
        ls1 = _log_sigmoid(d1 * sgn)
        lp0 = jnp.sum(jnp.where(is_w, ls0, 0.0), axis=0)
        lp1 = jnp.sum(jnp.where(is_w, ls1, 0.0), axis=0)
        ln0 = jnp.sum(jnp.where(is_w, 0.0, ls0), axis=0)
        ln1 = jnp.sum(jnp.where(is_w, 0.0, ls1), axis=0)
        lp_ref[...] = jnp.stack([lp0, lp1], axis=-1)[None]
        ln_ref[...] = jnp.stack([ln0, ln1], axis=-1)[None]

    lp3, ln3 = pl.pallas_call(
        body,
        grid=(nwk,),
        in_specs=[
            pl.BlockSpec((1, half, 128), lambda i: (i, 0, 0)),
            pl.BlockSpec((1, wn, half, 128), lambda i: (i, 0, 0, 0)),
        ],
        out_specs=[
            pl.BlockSpec((1, half, 2), lambda i: (i, 0, 0)),
            pl.BlockSpec((1, half, 2), lambda i: (i, 0, 0)),
        ],
        out_shape=[
            jax.ShapeDtypeStruct((nwk, half, 2), jnp.float32),
            jax.ShapeDtypeStruct((nwk, half, 2), jnp.float32),
        ],
        scratch_shapes=[
            pltpu.VMEM((wn, half), jnp.float32),
            pltpu.VMEM((wn, half), jnp.float32),
        ],
    )(c3, x4)
    return lp3, ln3


def _tc_broadcast(lp, ln):
    (b,) = lp.shape
    blk = 256
    grid = b // blk

    def body(lp_ref, ln_ref, o_ref):
        o_ref[...] = -(lp_ref[...] + ln_ref[...])

    return pl.pallas_call(
        body,
        grid=(grid,),
        in_specs=[
            pl.BlockSpec((1, b), lambda i: (0, 0)),
            pl.BlockSpec((blk, 1), lambda i: (i, 0)),
        ],
        out_specs=pl.BlockSpec((blk, b), lambda i: (i, 0)),
        out_shape=jax.ShapeDtypeStruct((b, b), jnp.float32),
    )(lp.reshape(1, b), ln.reshape(b, 1))


def kernel(centor_word, window_word, neg_word, in_emb, out_emb):
    b, w = window_word.shape
    n = neg_word.shape[1]

    x4 = _sc_gather_wn(_tc_format(out_emb),
                       window_word.astype(jnp.int32),
                       neg_word.astype(jnp.int32))
    c3 = _sc_gather_c(_tc_format(in_emb), centor_word.astype(jnp.int32))
    lp3, ln3 = _tc_stats(c3, x4, w, n)
    lp = lp3.reshape(b)
    ln = ln3.reshape(b)
    return _tc_broadcast(lp, ln)

# --- scband reference (transcript-rebuilt; emitter-appended) ---
"""Pipeline reference for scband-wo2-vec-29626684408102 (READ-ONLY COPY).

The authoritative reference and input builder live on the scoring server;
editing this copy changes nothing except your own understanding.
"""

import jax, jax.numpy as jnp
import numpy as np

VOCAB = 100000
EMBED = 64
B = 4096
W = 20
N = 50

def setup_inputs(seed: int = 0) -> dict:
    key = jax.random.key(seed)
    k1, k2, k3, k4, k5 = jax.random.split(key, 5)
    centor_word = jax.random.randint(k1, (B,), 0, VOCAB, dtype=jnp.int64 if jax.config.jax_enable_x64 else jnp.int32)
    window_word = jax.random.randint(k2, (B, W), 0, VOCAB, dtype=jnp.int64 if jax.config.jax_enable_x64 else jnp.int32)
    neg_word = jax.random.randint(k3, (B, N), 0, VOCAB, dtype=jnp.int64 if jax.config.jax_enable_x64 else jnp.int32)
    in_emb = jax.random.normal(k4, (VOCAB, EMBED), dtype=jnp.float32)
    out_emb = jax.random.normal(k5, (VOCAB, EMBED), dtype=jnp.float32)
    return {"centor_word": centor_word, "window_word": window_word, "neg_word": neg_word, "in_emb": in_emb, "out_emb": out_emb}

def reference(centor_word, window_word, neg_word, in_emb, out_emb):
    # Embedding lookups (gather) -- SparseCore-friendly
    centor_word_emb = jnp.take(in_emb, centor_word, axis=0)          # [B, E]
    window_word_emb = jnp.take(out_emb, window_word, axis=0)         # [B, W, E]
    neg_word_emb = jnp.take(out_emb, neg_word, axis=0)               # [B, N, E]
    centor_word_emb = centor_word_emb[:, :, None]                    # [B, E, 1] (unsqueeze(2))
    pos_dot = jnp.matmul(window_word_emb, centor_word_emb)           # [B, W, 1]
    pos_dot = jnp.squeeze(pos_dot, axis=2)                           # [B, W]
    neg_dot = jnp.matmul(neg_word_emb, -centor_word_emb)             # [B, N, 1]
    # NOTE: original code calls neg_dot.squeeze(2) without assignment -> no-op (faithful)
    log_pos = jax.nn.log_sigmoid(pos_dot).sum(axis=1)                # [B]
    log_neg = jax.nn.log_sigmoid(neg_dot).sum(axis=1)                # [B, 1]
    loss = log_pos + log_neg                                          # broadcasts to [B, B] (faithful to original bug)
    return -loss

if __name__ == "__main__":
    import jax
    _d = setup_inputs()
    print(jax.jit(kernel)(*tuple(_d.values())))

</pallas_src>

<mosaic_0001>
#map = affine_map<(d0, d1) -> (0, 0)>
#map1 = affine_map<(d0, d1) -> (0, 0, 0, 0)>
module attributes {stable_mosaic.version = 14 : i64} {
  func.func @k(%arg0: i32, %arg1: i32, %arg2: memref<106496x64xf32, #tpu.memory_space<hbm>>, %arg3: memref<4096x20xi32, #tpu.memory_space<hbm>>, %arg4: memref<4096x50xi32, #tpu.memory_space<hbm>>, %arg5: memref<32x70x64x128xf32, #tpu.memory_space<hbm>>, %arg6: memref<128x20xi32, #tpu.memory_space<vmem>>, %arg7: memref<128x50xi32, #tpu.memory_space<vmem>>, %arg8: memref<8960xi32, #tpu.memory_space<vmem>>, %arg9: memref<6x128x64xf32, #tpu.memory_space<vmem>>, %arg10: memref<6x!tpu.dma_semaphore, #tpu.memory_space<semaphore_mem>>, %arg11: memref<6x!tpu.dma_semaphore, #tpu.memory_space<semaphore_mem>>) attributes {dimension_semantics = [#tpu.dimension_semantics<core_parallel>, #tpu.dimension_semantics<subcore_parallel>], iteration_bounds = array<i64: 2, 16>, scalar_prefetch = 0 : i64, scratch_operands = 6 : i64, tpu.core_type = #tpu.core_type<sc_vector_subcore>, window_params = [{transform_indices = #map}, {transform_indices = #map}, {transform_indices = #map}, {transform_indices = #map1}]} {
    %mul3A = arith.constant 2 : i32
    %mul3A_0 = arith.muli %arg1, %mul3A : i32
    %add3A = arith.addi %mul3A_0, %arg0 : i32
    %mul3A_1 = arith.constant 128 : i32
    %mul3A_2 = arith.muli %add3A, %mul3A_1 : i32
    "tpu.region"() ({
      %run_scoped3A = tpu.sem_alloc : memref<!tpu.dma_semaphore, #tpu.memory_space<semaphore_mem>>
      %dma_start3A_321 = arith.constant 0 : i32
      %dma_start3A_322 = tpu.memref_slice %arg3[%mul3A_2, %dma_start3A_321] : memref<4096x20xi32, #tpu.memory_space<hbm>> -> memref<128x20xi32, #tpu.memory_space<hbm>>
      %dma_start3A_323 = arith.constant 0 : i32
      %dma_start3A_324 = tpu.memref_slice %arg3[%mul3A_2, %dma_start3A_323] : memref<4096x20xi32, #tpu.memory_space<hbm>> -> memref<128x20xi32, #tpu.memory_space<hbm>>
      tpu.enqueue_dma source(%dma_start3A_324 : memref<128x20xi32, #tpu.memory_space<hbm>>) target(%arg6 : memref<128x20xi32, #tpu.memory_space<vmem>>) target_semaphore(%run_scoped3A : memref<!tpu.dma_semaphore, #tpu.memory_space<semaphore_mem>>)
      %dma_wait3A_325 = arith.constant 0 : i32
      %dma_wait3A_326 = tpu.memref_slice %arg3[%mul3A_2, %dma_wait3A_325] : memref<4096x20xi32, #tpu.memory_space<hbm>> -> memref<128x20xi32, #tpu.memory_space<hbm>>
      %dma_wait3A_327 = arith.constant 0 : i32
      %dma_wait3A_328 = tpu.memref_slice %arg3[%mul3A_2, %dma_wait3A_327] : memref<4096x20xi32, #tpu.memory_space<hbm>> -> memref<128x20xi32, #tpu.memory_space<hbm>>
      tpu.wait_dma2 semaphore(%run_scoped3A : memref<!tpu.dma_semaphore, #tpu.memory_space<semaphore_mem>>) src(%dma_wait3A_328 : memref<128x20xi32, #tpu.memory_space<hbm>>) dst(%arg6 : memref<128x20xi32, #tpu.memory_space<vmem>>)
      tpu.yield
    }) : () -> ()
    "tpu.region"() ({
      %run_scoped3A = tpu.sem_alloc : memref<!tpu.dma_semaphore, #tpu.memory_space<semaphore_mem>>
      %dma_start3A_321 = arith.constant 0 : i32
      %dma_start3A_322 = tpu.memref_slice %arg4[%mul3A_2, %dma_start3A_321] : memref<4096x50xi32, #tpu.memory_space<hbm>> -> memref<128x50xi32, #tpu.memory_space<hbm>>
      %dma_start3A_323 = arith.constant 0 : i32
      %dma_start3A_324 = tpu.memref_slice %arg4[%mul3A_2, %dma_start3A_323] : memref<4096x50xi32, #tpu.memory_space<hbm>> -> memref<128x50xi32, #tpu.memory_space<hbm>>
      tpu.enqueue_dma source(%dma_start3A_324 : memref<128x50xi32, #tpu.memory_space<hbm>>) target(%arg7 : memref<128x50xi32, #tpu.memory_space<vmem>>) target_semaphore(%run_scoped3A : memref<!tpu.dma_semaphore, #tpu.memory_space<semaphore_mem>>)
      %dma_wait3A_325 = arith.constant 0 : i32
      %dma_wait3A_326 = tpu.memref_slice %arg4[%mul3A_2, %dma_wait3A_325] : memref<4096x50xi32, #tpu.memory_space<hbm>> -> memref<128x50xi32, #tpu.memory_space<hbm>>
      %dma_wait3A_327 = arith.constant 0 : i32
      %dma_wait3A_328 = tpu.memref_slice %arg4[%mul3A_2, %dma_wait3A_327] : memref<4096x50xi32, #tpu.memory_space<hbm>> -> memref<128x50xi32, #tpu.memory_space<hbm>>
      tpu.wait_dma2 semaphore(%run_scoped3A : memref<!tpu.dma_semaphore, #tpu.memory_space<semaphore_mem>>) src(%dma_wait3A_328 : memref<128x50xi32, #tpu.memory_space<hbm>>) dst(%arg7 : memref<128x50xi32, #tpu.memory_space<vmem>>)
      tpu.yield
    }) : () -> ()
    %iota3A = tpu.iota {dimensions = array<i32: 0>} : vector<16xi32>
    %scan3A = arith.constant 0 : i32
    %scan3A_3 = arith.constant 0 : i32
    %scan3A_4 = arith.constant 140 : i32
    %scan3A_5 = arith.addi %scan3A_3, %scan3A_4 : i32
    %scan3A_6 = arith.constant 1 : i32
    %scan3A_7 = scf.for %scan3A_321 = %scan3A_3 to %scan3A_5 step %scan3A_6 iter_args(%scan3A_322 = %scan3A) -> (i32)  : i32 {
      %jit3A = arith.constant 2 : i32
      %div3A = arith.divsi %scan3A_321, %jit3A : i32
      %sign3A = arith.constant 0 : i32
      %sign3A_323 = arith.cmpi sgt, %scan3A_321, %sign3A : i32
      %sign3A_324 = arith.extui %sign3A_323 : i1 to i32
      %sign3A_325 = arith.constant 0 : i32
      %sign3A_326 = arith.cmpi slt, %scan3A_321, %sign3A_325 : i32
      %sign3A_327 = arith.extui %sign3A_326 : i1 to i32
      %sign3A_328 = arith.subi %sign3A_324, %sign3A_327 : i32
      %sign3A_329 = arith.constant 0 : i32
      %sign3A_330 = arith.cmpi sgt, %jit3A, %sign3A_329 : i32
      %sign3A_331 = arith.extui %sign3A_330 : i1 to i32
      %sign3A_332 = arith.constant 0 : i32
      %sign3A_333 = arith.cmpi slt, %jit3A, %sign3A_332 : i32
      %sign3A_334 = arith.extui %sign3A_333 : i1 to i32
      %sign3A_335 = arith.subi %sign3A_331, %sign3A_334 : i32
      %ne3A = arith.cmpi ne, %sign3A_328, %sign3A_335 : i32
      %rem3A_336 = arith.remsi %scan3A_321, %jit3A : i32
      %ne3A_337 = arith.constant 0 : i32
      %ne3A_338 = arith.cmpi ne, %rem3A_336, %ne3A_337 : i32
      %and3A = arith.andi %ne3A, %ne3A_338 : i1
      %sub3A = arith.constant 1 : i32
      %sub3A_339 = arith.subi %div3A, %sub3A : i32
      %select_n3A = arith.select %and3A, %sub3A_339, %div3A : i32
      %mul3A_340 = arith.constant 2 : i32
      %mul3A_341 = arith.muli %mul3A_340, %select_n3A : i32
      %sub3A_342 = arith.subi %scan3A_321, %mul3A_341 : i32
      %broadcast_in_dim3A = vector.broadcast %select_n3A : i32 to vector<16xi32>
      %sub3A_343 = arith.constant 20 : i32
      %sub3A_344 = arith.subi %select_n3A, %sub3A_343 : i32
      %broadcast_in_dim3A_345 = vector.broadcast %sub3A_344 : i32 to vector<16xi32>
      %mul3A_346 = arith.constant 2 : i32
      %mul3A_347 = vector.broadcast %mul3A_346 : i32 to vector<16xi32>
      %mul3A_348 = arith.muli %iota3A, %mul3A_347 : vector<16xi32>
      %add3A_349 = arith.constant 0 : i32
      %add3A_350 = arith.addi %add3A_349, %sub3A_342 : i32
      %add3A_351 = vector.broadcast %add3A_350 : i32 to vector<16xi32>
      %add3A_352 = arith.addi %mul3A_348, %add3A_351 : vector<16xi32>
      %lt3A = arith.constant 20 : i32
      %lt3A_353 = arith.cmpi slt, %select_n3A, %lt3A : i32
      %convert_element_type3A = arith.extui %lt3A_353 : i1 to i32
      %cond3A = arith.constant 0 : i32
      %cond3A_354 = arith.cmpi ne, %convert_element_type3A, %cond3A : i32
      scf.if %cond3A_354 {
        %gather3A = tpu.vector_load_idx %arg6[%add3A_352, %broadcast_in_dim3A] : memref<128x20xi32, #tpu.memory_space<vmem>>[vector<16xi32>, vector<16xi32>], vector<16xi32>,
        %shift_right_arithmetic3A = arith.constant 13 : i32
        %shift_right_arithmetic3A_411 = vector.broadcast %shift_right_arithmetic3A : i32 to vector<16xi32>
        %shift_right_arithmetic3A_412 = arith.shrsi %gather3A, %shift_right_arithmetic3A_411 : vector<16xi32>
        %and3A_413 = arith.constant 8191 : i32
        %and3A_414 = vector.broadcast %and3A_413 : i32 to vector<16xi32>
        %and3A_415 = arith.andi %gather3A, %and3A_414 : vector<16xi32>
        %shift_left3A = arith.constant 13 : i32
        %shift_left3A_416 = vector.broadcast %shift_left3A : i32 to vector<16xi32>
        %shift_left3A_417 = arith.shli %shift_right_arithmetic3A_412, %shift_left3A_416 : vector<16xi32>
        %and3A_418 = arith.constant 4095 : i32
        %and3A_419 = vector.broadcast %and3A_418 : i32 to vector<16xi32>
        %and3A_420 = arith.andi %and3A_415, %and3A_419 : vector<16xi32>
        %shift_left3A_421 = arith.constant 1 : i32
        %shift_left3A_422 = vector.broadcast %shift_left3A_421 : i32 to vector<16xi32>
        %shift_left3A_423 = arith.shli %and3A_420, %shift_left3A_422 : vector<16xi32>
        %add3A_424 = arith.addi %shift_left3A_417, %shift_left3A_423 : vector<16xi32>
        %shift_right_arithmetic3A_425 = arith.constant 12 : i32
        %shift_right_arithmetic3A_426 = vector.broadcast %shift_right_arithmetic3A_425 : i32 to vector<16xi32>
        %shift_right_arithmetic3A_427 = arith.shrsi %and3A_415, %shift_right_arithmetic3A_426 : vector<16xi32>
        %add3A_428 = arith.addi %add3A_424, %shift_right_arithmetic3A_427 : vector<16xi32>
        %mul3A_429 = arith.constant 64 : i32
        %mul3A_430 = arith.muli %scan3A_321, %mul3A_429 : i32
        %add3A_431 = arith.constant 0 : i32
        %add3A_432 = arith.addi %mul3A_430, %add3A_431 : i32
        %swap3A = arith.index_cast %add3A_432 : i32 to index
        %swap3A_433 = tpu.vector_load %arg8[%swap3A] {strides = array<i32>} : memref<8960xi32, #tpu.memory_space<vmem>>, vector<16xi32>,
        tpu.vector_store %arg8[%swap3A], %add3A_428 {strides = array<i32>} : memref<8960xi32, #tpu.memory_space<vmem>>, vector<16xi32>,
      } else {
      }
      %ge3A = arith.constant 20 : i32
      %ge3A_355 = arith.cmpi sge, %select_n3A, %ge3A : i32
      %convert_element_type3A_356 = arith.extui %ge3A_355 : i1 to i32
      %cond3A_357 = arith.constant 0 : i32
      %cond3A_358 = arith.cmpi ne, %convert_element_type3A_356, %cond3A_357 : i32
      scf.if %cond3A_358 {
        %gather3A = tpu.vector_load_idx %arg7[%add3A_352, %broadcast_in_dim3A_345] : memref<128x50xi32, #tpu.memory_space<vmem>>[vector<16xi32>, vector<16xi32>], vector<16xi32>,
        %shift_right_arithmetic3A = arith.constant 13 : i32
        %shift_right_arithmetic3A_411 = vector.broadcast %shift_right_arithmetic3A : i32 to vector<16xi32>
        %shift_right_arithmetic3A_412 = arith.shrsi %gather3A, %shift_right_arithmetic3A_411 : vector<16xi32>
        %and3A_413 = arith.constant 8191 : i32
        %and3A_414 = vector.broadcast %and3A_413 : i32 to vector<16xi32>
        %and3A_415 = arith.andi %gather3A, %and3A_414 : vector<16xi32>
        %shift_left3A = arith.constant 13 : i32
        %shift_left3A_416 = vector.broadcast %shift_left3A : i32 to vector<16xi32>
        %shift_left3A_417 = arith.shli %shift_right_arithmetic3A_412, %shift_left3A_416 : vector<16xi32>
        %and3A_418 = arith.constant 4095 : i32
        %and3A_419 = vector.broadcast %and3A_418 : i32 to vector<16xi32>
        %and3A_420 = arith.andi %and3A_415, %and3A_419 : vector<16xi32>
        %shift_left3A_421 = arith.constant 1 : i32
        %shift_left3A_422 = vector.broadcast %shift_left3A_421 : i32 to vector<16xi32>
        %shift_left3A_423 = arith.shli %and3A_420, %shift_left3A_422 : vector<16xi32>
        %add3A_424 = arith.addi %shift_left3A_417, %shift_left3A_423 : vector<16xi32>
        %shift_right_arithmetic3A_425 = arith.constant 12 : i32
        %shift_right_arithmetic3A_426 = vector.broadcast %shift_right_arithmetic3A_425 : i32 to vector<16xi32>
        %shift_right_arithmetic3A_427 = arith.shrsi %and3A_415, %shift_right_arithmetic3A_426 : vector<16xi32>
        %add3A_428 = arith.addi %add3A_424, %shift_right_arithmetic3A_427 : vector<16xi32>
        %mul3A_429 = arith.constant 64 : i32
        %mul3A_430 = arith.muli %scan3A_321, %mul3A_429 : i32
        %add3A_431 = arith.constant 0 : i32
        %add3A_432 = arith.addi %mul3A_430, %add3A_431 : i32
        %swap3A = arith.index_cast %add3A_432 : i32 to index
        %swap3A_433 = tpu.vector_load %arg8[%swap3A] {strides = array<i32>} : memref<8960xi32, #tpu.memory_space<vmem>>, vector<16xi32>,
        tpu.vector_store %arg8[%swap3A], %add3A_428 {strides = array<i32>} : memref<8960xi32, #tpu.memory_space<vmem>>, vector<16xi32>,
      } else {
      }
      %mul3A_359 = arith.constant 2 : i32
      %mul3A_360 = vector.broadcast %mul3A_359 : i32 to vector<16xi32>
      %mul3A_361 = arith.muli %iota3A, %mul3A_360 : vector<16xi32>
      %add3A_362 = arith.constant 32 : i32
      %add3A_363 = arith.addi %add3A_362, %sub3A_342 : i32
      %add3A_364 = vector.broadcast %add3A_363 : i32 to vector<16xi32>
      %add3A_365 = arith.addi %mul3A_361, %add3A_364 : vector<16xi32>
      %lt3A_366 = arith.constant 20 : i32
      %lt3A_367 = arith.cmpi slt, %select_n3A, %lt3A_366 : i32
      %convert_element_type3A_368 = arith.extui %lt3A_367 : i1 to i32
      %cond3A_369 = arith.constant 0 : i32
      %cond3A_370 = arith.cmpi ne, %convert_element_type3A_368, %cond3A_369 : i32
      scf.if %cond3A_370 {
        %gather3A = tpu.vector_load_idx %arg6[%add3A_365, %broadcast_in_dim3A] : memref<128x20xi32, #tpu.memory_space<vmem>>[vector<16xi32>, vector<16xi32>], vector<16xi32>,
        %shift_right_arithmetic3A = arith.constant 13 : i32
        %shift_right_arithmetic3A_411 = vector.broadcast %shift_right_arithmetic3A : i32 to vector<16xi32>
        %shift_right_arithmetic3A_412 = arith.shrsi %gather3A, %shift_right_arithmetic3A_411 : vector<16xi32>
        %and3A_413 = arith.constant 8191 : i32
        %and3A_414 = vector.broadcast %and3A_413 : i32 to vector<16xi32>
        %and3A_415 = arith.andi %gather3A, %and3A_414 : vector<16xi32>
        %shift_left3A = arith.constant 13 : i32
        %shift_left3A_416 = vector.broadcast %shift_left3A : i32 to vector<16xi32>
        %shift_left3A_417 = arith.shli %shift_right_arithmetic3A_412, %shift_left3A_416 : vector<16xi32>
        %and3A_418 = arith.constant 4095 : i32
        %and3A_419 = vector.broadcast %and3A_418 : i32 to vector<16xi32>
        %and3A_420 = arith.andi %and3A_415, %and3A_419 : vector<16xi32>
        %shift_left3A_421 = arith.constant 1 : i32
        %shift_left3A_422 = vector.broadcast %shift_left3A_421 : i32 to vector<16xi32>
        %shift_left3A_423 = arith.shli %and3A_420, %shift_left3A_422 : vector<16xi32>
        %add3A_424 = arith.addi %shift_left3A_417, %shift_left3A_423 : vector<16xi32>
        %shift_right_arithmetic3A_425 = arith.constant 12 : i32
        %shift_right_arithmetic3A_426 = vector.broadcast %shift_right_arithmetic3A_425 : i32 to vector<16xi32>
        %shift_right_arithmetic3A_427 = arith.shrsi %and3A_415, %shift_right_arithmetic3A_426 : vector<16xi32>
        %add3A_428 = arith.addi %add3A_424, %shift_right_arithmetic3A_427 : vector<16xi32>
        %mul3A_429 = arith.constant 64 : i32
        %mul3A_430 = arith.muli %scan3A_321, %mul3A_429 : i32
        %add3A_431 = arith.constant 16 : i32
        %add3A_432 = arith.addi %mul3A_430, %add3A_431 : i32
        %swap3A = arith.index_cast %add3A_432 : i32 to index
        %swap3A_433 = tpu.vector_load %arg8[%swap3A] {strides = array<i32>} : memref<8960xi32, #tpu.memory_space<vmem>>, vector<16xi32>,
        tpu.vector_store %arg8[%swap3A], %add3A_428 {strides = array<i32>} : memref<8960xi32, #tpu.memory_space<vmem>>, vector<16xi32>,
      } else {
      }
      %ge3A_371 = arith.constant 20 : i32
      %ge3A_372 = arith.cmpi sge, %select_n3A, %ge3A_371 : i32
      %convert_element_type3A_373 = arith.extui %ge3A_372 : i1 to i32
      %cond3A_374 = arith.constant 0 : i32
      %cond3A_375 = arith.cmpi ne, %convert_element_type3A_373, %cond3A_374 : i32
      scf.if %cond3A_375 {
        %gather3A = tpu.vector_load_idx %arg7[%add3A_365, %broadcast_in_dim3A_345] : memref<128x50xi32, #tpu.memory_space<vmem>>[vector<16xi32>, vector<16xi32>], vector<16xi32>,
        %shift_right_arithmetic3A = arith.constant 13 : i32
        %shift_right_arithmetic3A_411 = vector.broadcast %shift_right_arithmetic3A : i32 to vector<16xi32>
        %shift_right_arithmetic3A_412 = arith.shrsi %gather3A, %shift_right_arithmetic3A_411 : vector<16xi32>
        %and3A_413 = arith.constant 8191 : i32
        %and3A_414 = vector.broadcast %and3A_413 : i32 to vector<16xi32>
        %and3A_415 = arith.andi %gather3A, %and3A_414 : vector<16xi32>
        %shift_left3A = arith.constant 13 : i32
        %shift_left3A_416 = vector.broadcast %shift_left3A : i32 to vector<16xi32>
        %shift_left3A_417 = arith.shli %shift_right_arithmetic3A_412, %shift_left3A_416 : vector<16xi32>
        %and3A_418 = arith.constant 4095 : i32
        %and3A_419 = vector.broadcast %and3A_418 : i32 to vector<16xi32>
        %and3A_420 = arith.andi %and3A_415, %and3A_419 : vector<16xi32>
        %shift_left3A_421 = arith.constant 1 : i32
        %shift_left3A_422 = vector.broadcast %shift_left3A_421 : i32 to vector<16xi32>
        %shift_left3A_423 = arith.shli %and3A_420, %shift_left3A_422 : vector<16xi32>
        %add3A_424 = arith.addi %shift_left3A_417, %shift_left3A_423 : vector<16xi32>
        %shift_right_arithmetic3A_425 = arith.constant 12 : i32
        %shift_right_arithmetic3A_426 = vector.broadcast %shift_right_arithmetic3A_425 : i32 to vector<16xi32>
        %shift_right_arithmetic3A_427 = arith.shrsi %and3A_415, %shift_right_arithmetic3A_426 : vector<16xi32>
        %add3A_428 = arith.addi %add3A_424, %shift_right_arithmetic3A_427 : vector<16xi32>
        %mul3A_429 = arith.constant 64 : i32
        %mul3A_430 = arith.muli %scan3A_321, %mul3A_429 : i32
        %add3A_431 = arith.constant 16 : i32
        %add3A_432 = arith.addi %mul3A_430, %add3A_431 : i32
        %swap3A = arith.index_cast %add3A_432 : i32 to index
        %swap3A_433 = tpu.vector_load %arg8[%swap3A] {strides = array<i32>} : memref<8960xi32, #tpu.memory_space<vmem>>, vector<16xi32>,
        tpu.vector_store %arg8[%swap3A], %add3A_428 {strides = array<i32>} : memref<8960xi32, #tpu.memory_space<vmem>>, vector<16xi32>,
      } else {
      }
      %mul3A_376 = arith.constant 2 : i32
      %mul3A_377 = vector.broadcast %mul3A_376 : i32 to vector<16xi32>
      %mul3A_378 = arith.muli %iota3A, %mul3A_377 : vector<16xi32>
      %add3A_379 = arith.constant 64 : i32
      %add3A_380 = arith.addi %add3A_379, %sub3A_342 : i32
      %add3A_381 = vector.broadcast %add3A_380 : i32 to vector<16xi32>
      %add3A_382 = arith.addi %mul3A_378, %add3A_381 : vector<16xi32>
      %lt3A_383 = arith.constant 20 : i32
      %lt3A_384 = arith.cmpi slt, %select_n3A, %lt3A_383 : i32
      %convert_element_type3A_385 = arith.extui %lt3A_384 : i1 to i32
      %cond3A_386 = arith.constant 0 : i32
      %cond3A_387 = arith.cmpi ne, %convert_element_type3A_385, %cond3A_386 : i32
      scf.if %cond3A_387 {
        %gather3A = tpu.vector_load_idx %arg6[%add3A_382, %broadcast_in_dim3A] : memref<128x20xi32, #tpu.memory_space<vmem>>[vector<16xi32>, vector<16xi32>], vector<16xi32>,
        %shift_right_arithmetic3A = arith.constant 13 : i32
        %shift_right_arithmetic3A_411 = vector.broadcast %shift_right_arithmetic3A : i32 to vector<16xi32>
        %shift_right_arithmetic3A_412 = arith.shrsi %gather3A, %shift_right_arithmetic3A_411 : vector<16xi32>
        %and3A_413 = arith.constant 8191 : i32
        %and3A_414 = vector.broadcast %and3A_413 : i32 to vector<16xi32>
        %and3A_415 = arith.andi %gather3A, %and3A_414 : vector<16xi32>
        %shift_left3A = arith.constant 13 : i32
        %shift_left3A_416 = vector.broadcast %shift_left3A : i32 to vector<16xi32>
        %shift_left3A_417 = arith.shli %shift_right_arithmetic3A_412, %shift_left3A_416 : vector<16xi32>
        %and3A_418 = arith.constant 4095 : i32
        %and3A_419 = vector.broadcast %and3A_418 : i32 to vector<16xi32>
        %and3A_420 = arith.andi %and3A_415, %and3A_419 : vector<16xi32>
        %shift_left3A_421 = arith.constant 1 : i32
        %shift_left3A_422 = vector.broadcast %shift_left3A_421 : i32 to vector<16xi32>
        %shift_left3A_423 = arith.shli %and3A_420, %shift_left3A_422 : vector<16xi32>
        %add3A_424 = arith.addi %shift_left3A_417, %shift_left3A_423 : vector<16xi32>
        %shift_right_arithmetic3A_425 = arith.constant 12 : i32
        %shift_right_arithmetic3A_426 = vector.broadcast %shift_right_arithmetic3A_425 : i32 to vector<16xi32>
        %shift_right_arithmetic3A_427 = arith.shrsi %and3A_415, %shift_right_arithmetic3A_426 : vector<16xi32>
        %add3A_428 = arith.addi %add3A_424, %shift_right_arithmetic3A_427 : vector<16xi32>
        %mul3A_429 = arith.constant 64 : i32
        %mul3A_430 = arith.muli %scan3A_321, %mul3A_429 : i32
        %add3A_431 = arith.constant 32 : i32
        %add3A_432 = arith.addi %mul3A_430, %add3A_431 : i32
        %swap3A = arith.index_cast %add3A_432 : i32 to index
        %swap3A_433 = tpu.vector_load %arg8[%swap3A] {strides = array<i32>} : memref<8960xi32, #tpu.memory_space<vmem>>, vector<16xi32>,
        tpu.vector_store %arg8[%swap3A], %add3A_428 {strides = array<i32>} : memref<8960xi32, #tpu.memory_space<vmem>>, vector<16xi32>,
      } else {
      }
      %ge3A_388 = arith.constant 20 : i32
      %ge3A_389 = arith.cmpi sge, %select_n3A, %ge3A_388 : i32
      %convert_element_type3A_390 = arith.extui %ge3A_389 : i1 to i32
      %cond3A_391 = arith.constant 0 : i32
      %cond3A_392 = arith.cmpi ne, %convert_element_type3A_390, %cond3A_391 : i32
      scf.if %cond3A_392 {
        %gather3A = tpu.vector_load_idx %arg7[%add3A_382, %broadcast_in_dim3A_345] : memref<128x50xi32, #tpu.memory_space<vmem>>[vector<16xi32>, vector<16xi32>], vector<16xi32>,
        %shift_right_arithmetic3A = arith.constant 13 : i32
        %shift_right_arithmetic3A_411 = vector.broadcast %shift_right_arithmetic3A : i32 to vector<16xi32>
        %shift_right_arithmetic3A_412 = arith.shrsi %gather3A, %shift_right_arithmetic3A_411 : vector<16xi32>
        %and3A_413 = arith.constant 8191 : i32
        %and3A_414 = vector.broadcast %and3A_413 : i32 to vector<16xi32>
        %and3A_415 = arith.andi %gather3A, %and3A_414 : vector<16xi32>
        %shift_left3A = arith.constant 13 : i32
        %shift_left3A_416 = vector.broadcast %shift_left3A : i32 to vector<16xi32>
        %shift_left3A_417 = arith.shli %shift_right_arithmetic3A_412, %shift_left3A_416 : vector<16xi32>
        %and3A_418 = arith.constant 4095 : i32
        %and3A_419 = vector.broadcast %and3A_418 : i32 to vector<16xi32>
        %and3A_420 = arith.andi %and3A_415, %and3A_419 : vector<16xi32>
        %shift_left3A_421 = arith.constant 1 : i32
        %shift_left3A_422 = vector.broadcast %shift_left3A_421 : i32 to vector<16xi32>
        %shift_left3A_423 = arith.shli %and3A_420, %shift_left3A_422 : vector<16xi32>
        %add3A_424 = arith.addi %shift_left3A_417, %shift_left3A_423 : vector<16xi32>
        %shift_right_arithmetic3A_425 = arith.constant 12 : i32
        %shift_right_arithmetic3A_426 = vector.broadcast %shift_right_arithmetic3A_425 : i32 to vector<16xi32>
        %shift_right_arithmetic3A_427 = arith.shrsi %and3A_415, %shift_right_arithmetic3A_426 : vector<16xi32>
        %add3A_428 = arith.addi %add3A_424, %shift_right_arithmetic3A_427 : vector<16xi32>
        %mul3A_429 = arith.constant 64 : i32
        %mul3A_430 = arith.muli %scan3A_321, %mul3A_429 : i32
        %add3A_431 = arith.constant 32 : i32
        %add3A_432 = arith.addi %mul3A_430, %add3A_431 : i32
        %swap3A = arith.index_cast %add3A_432 : i32 to index
        %swap3A_433 = tpu.vector_load %arg8[%swap3A] {strides = array<i32>} : memref<8960xi32, #tpu.memory_space<vmem>>, vector<16xi32>,
        tpu.vector_store %arg8[%swap3A], %add3A_428 {strides = array<i32>} : memref<8960xi32, #tpu.memory_space<vmem>>, vector<16xi32>,
      } else {
      }
      %mul3A_393 = arith.constant 2 : i32
      %mul3A_394 = vector.broadcast %mul3A_393 : i32 to vector<16xi32>
      %mul3A_395 = arith.muli %iota3A, %mul3A_394 : vector<16xi32>
      %add3A_396 = arith.constant 96 : i32
      %add3A_397 = arith.addi %add3A_396, %sub3A_342 : i32
      %add3A_398 = vector.broadcast %add3A_397 : i32 to vector<16xi32>
      %add3A_399 = arith.addi %mul3A_395, %add3A_398 : vector<16xi32>
      %lt3A_400 = arith.constant 20 : i32
      %lt3A_401 = arith.cmpi slt, %select_n3A, %lt3A_400 : i32
      %convert_element_type3A_402 = arith.extui %lt3A_401 : i1 to i32
      %cond3A_403 = arith.constant 0 : i32
      %cond3A_404 = arith.cmpi ne, %convert_element_type3A_402, %cond3A_403 : i32
      scf.if %cond3A_404 {
        %gather3A = tpu.vector_load_idx %arg6[%add3A_399, %broadcast_in_dim3A] : memref<128x20xi32, #tpu.memory_space<vmem>>[vector<16xi32>, vector<16xi32>], vector<16xi32>,
        %shift_right_arithmetic3A = arith.constant 13 : i32
        %shift_right_arithmetic3A_411 = vector.broadcast %shift_right_arithmetic3A : i32 to vector<16xi32>
        %shift_right_arithmetic3A_412 = arith.shrsi %gather3A, %shift_right_arithmetic3A_411 : vector<16xi32>
        %and3A_413 = arith.constant 8191 : i32
        %and3A_414 = vector.broadcast %and3A_413 : i32 to vector<16xi32>
        %and3A_415 = arith.andi %gather3A, %and3A_414 : vector<16xi32>
        %shift_left3A = arith.constant 13 : i32
        %shift_left3A_416 = vector.broadcast %shift_left3A : i32 to vector<16xi32>
        %shift_left3A_417 = arith.shli %shift_right_arithmetic3A_412, %shift_left3A_416 : vector<16xi32>
        %and3A_418 = arith.constant 4095 : i32
        %and3A_419 = vector.broadcast %and3A_418 : i32 to vector<16xi32>
        %and3A_420 = arith.andi %and3A_415, %and3A_419 : vector<16xi32>
        %shift_left3A_421 = arith.constant 1 : i32
        %shift_left3A_422 = vector.broadcast %shift_left3A_421 : i32 to vector<16xi32>
        %shift_left3A_423 = arith.shli %and3A_420, %shift_left3A_422 : vector<16xi32>
        %add3A_424 = arith.addi %shift_left3A_417, %shift_left3A_423 : vector<16xi32>
        %shift_right_arithmetic3A_425 = arith.constant 12 : i32
        %shift_right_arithmetic3A_426 = vector.broadcast %shift_right_arithmetic3A_425 : i32 to vector<16xi32>
        %shift_right_arithmetic3A_427 = arith.shrsi %and3A_415, %shift_right_arithmetic3A_426 : vector<16xi32>
        %add3A_428 = arith.addi %add3A_424, %shift_right_arithmetic3A_427 : vector<16xi32>
        %mul3A_429 = arith.constant 64 : i32
        %mul3A_430 = arith.muli %scan3A_321, %mul3A_429 : i32
        %add3A_431 = arith.constant 48 : i32
        %add3A_432 = arith.addi %mul3A_430, %add3A_431 : i32
        %swap3A = arith.index_cast %add3A_432 : i32 to index
        %swap3A_433 = tpu.vector_load %arg8[%swap3A] {strides = array<i32>} : memref<8960xi32, #tpu.memory_space<vmem>>, vector<16xi32>,
        tpu.vector_store %arg8[%swap3A], %add3A_428 {strides = array<i32>} : memref<8960xi32, #tpu.memory_space<vmem>>, vector<16xi32>,
      } else {
      }
      %ge3A_405 = arith.constant 20 : i32
      %ge3A_406 = arith.cmpi sge, %select_n3A, %ge3A_405 : i32
      %convert_element_type3A_407 = arith.extui %ge3A_406 : i1 to i32
      %cond3A_408 = arith.constant 0 : i32
      %cond3A_409 = arith.cmpi ne, %convert_element_type3A_407, %cond3A_408 : i32
      scf.if %cond3A_409 {
        %gather3A = tpu.vector_load_idx %arg7[%add3A_399, %broadcast_in_dim3A_345] : memref<128x50xi32, #tpu.memory_space<vmem>>[vector<16xi32>, vector<16xi32>], vector<16xi32>,
        %shift_right_arithmetic3A = arith.constant 13 : i32
        %shift_right_arithmetic3A_411 = vector.broadcast %shift_right_arithmetic3A : i32 to vector<16xi32>
        %shift_right_arithmetic3A_412 = arith.shrsi %gather3A, %shift_right_arithmetic3A_411 : vector<16xi32>
        %and3A_413 = arith.constant 8191 : i32
        %and3A_414 = vector.broadcast %and3A_413 : i32 to vector<16xi32>
        %and3A_415 = arith.andi %gather3A, %and3A_414 : vector<16xi32>
        %shift_left3A = arith.constant 13 : i32
        %shift_left3A_416 = vector.broadcast %shift_left3A : i32 to vector<16xi32>
        %shift_left3A_417 = arith.shli %shift_right_arithmetic3A_412, %shift_left3A_416 : vector<16xi32>
        %and3A_418 = arith.constant 4095 : i32
        %and3A_419 = vector.broadcast %and3A_418 : i32 to vector<16xi32>
        %and3A_420 = arith.andi %and3A_415, %and3A_419 : vector<16xi32>
        %shift_left3A_421 = arith.constant 1 : i32
        %shift_left3A_422 = vector.broadcast %shift_left3A_421 : i32 to vector<16xi32>
        %shift_left3A_423 = arith.shli %and3A_420, %shift_left3A_422 : vector<16xi32>
        %add3A_424 = arith.addi %shift_left3A_417, %shift_left3A_423 : vector<16xi32>
        %shift_right_arithmetic3A_425 = arith.constant 12 : i32
        %shift_right_arithmetic3A_426 = vector.broadcast %shift_right_arithmetic3A_425 : i32 to vector<16xi32>
        %shift_right_arithmetic3A_427 = arith.shrsi %and3A_415, %shift_right_arithmetic3A_426 : vector<16xi32>
        %add3A_428 = arith.addi %add3A_424, %shift_right_arithmetic3A_427 : vector<16xi32>
        %mul3A_429 = arith.constant 64 : i32
        %mul3A_430 = arith.muli %scan3A_321, %mul3A_429 : i32
        %add3A_431 = arith.constant 48 : i32
        %add3A_432 = arith.addi %mul3A_430, %add3A_431 : i32
        %swap3A = arith.index_cast %add3A_432 : i32 to index
        %swap3A_433 = tpu.vector_load %arg8[%swap3A] {strides = array<i32>} : memref<8960xi32, #tpu.memory_space<vmem>>, vector<16xi32>,
        tpu.vector_store %arg8[%swap3A], %add3A_428 {strides = array<i32>} : memref<8960xi32, #tpu.memory_space<vmem>>, vector<16xi32>,
      } else {
      }
      %scan3A_410 = arith.constant 0 : i32
      scf.yield %scan3A_410 : i32
    }
    %scan3A_8 = arith.constant 140 : i32
    %rem3A = arith.constant 0 : i32
    %rem3A_9 = arith.constant 6 : i32
    %rem3A_10 = arith.remsi %rem3A, %rem3A_9 : i32
    %dma_start3A = arith.constant 0 : i32
    %dma_start3A_11 = arith.constant 0 : i32
    %dma_start3A_12 = tpu.memref_slice %arg9[%rem3A_10, %dma_start3A, %dma_start3A_11] : memref<6x128x64xf32, #tpu.memory_space<vmem>> -> memref<1x128x64xf32, #tpu.memory_space<vmem>>
    %dma_start3A_13 = tpu.memref_squeeze %dma_start3A_12 : memref<1x128x64xf32, #tpu.memory_space<vmem>> -> memref<128x64xf32, #tpu.memory_space<vmem>>
    %dma_start3A_14 = arith.constant 0 : i32
    %dma_start3A_15 = tpu.memref_slice %arg8[%dma_start3A_14] : memref<8960xi32, #tpu.memory_space<vmem>> -> memref<128xi32, #tpu.memory_space<vmem>>
    %dma_start3A_16 = arith.constant 0 : i32
    %dma_start3A_17 = arith.constant 0 : i32
    %dma_start3A_18 = tpu.memref_slice %arg2[%dma_start3A_16, %dma_start3A_17] : memref<106496x64xf32, #tpu.memory_space<hbm>> -> memref<106496x64xf32, #tpu.memory_space<hbm>>
    %dma_start3A_19 = tpu.memref_slice %arg10[%rem3A_10] : memref<6x!tpu.dma_semaphore, #tpu.memory_space<semaphore_mem>> -> memref<1x!tpu.dma_semaphore, #tpu.memory_space<semaphore_mem>>
    %dma_start3A_20 = tpu.memref_squeeze %dma_start3A_19 : memref<1x!tpu.dma_semaphore, #tpu.memory_space<semaphore_mem>> -> memref<!tpu.dma_semaphore, #tpu.memory_space<semaphore_mem>>
    tpu.enqueue_indirect_dma source(%dma_start3A_18 : memref<106496x64xf32, #tpu.memory_space<hbm>>) target(%dma_start3A_13 : memref<128x64xf32, #tpu.memory_space<vmem>>) offsets(%dma_start3A_15 : memref<128xi32, #tpu.memory_space<vmem>>) semaphore(%dma_start3A_20 : memref<!tpu.dma_semaphore, #tpu.memory_space<semaphore_mem>>)
    %rem3A_21 = arith.constant 1 : i32
    %rem3A_22 = arith.constant 6 : i32
    %rem3A_23 = arith.remsi %rem3A_21, %rem3A_22 : i32
    %dma_start3A_24 = arith.constant 0 : i32
    %dma_start3A_25 = arith.constant 0 : i32
    %dma_start3A_26 = tpu.memref_slice %arg9[%rem3A_23, %dma_start3A_24, %dma_start3A_25] : memref<6x128x64xf32, #tpu.memory_space<vmem>> -> memref<1x128x64xf32, #tpu.memory_space<vmem>>
    %dma_start3A_27 = tpu.memref_squeeze %dma_start3A_26 : memref<1x128x64xf32, #tpu.memory_space<vmem>> -> memref<128x64xf32, #tpu.memory_space<vmem>>
    %dma_start3A_28 = arith.constant 128 : i32
    %dma_start3A_29 = tpu.memref_slice %arg8[%dma_start3A_28] : memref<8960xi32, #tpu.memory_space<vmem>> -> memref<128xi32, #tpu.memory_space<vmem>>
    %dma_start3A_30 = arith.constant 0 : i32
    %dma_start3A_31 = arith.constant 0 : i32
    %dma_start3A_32 = tpu.memref_slice %arg2[%dma_start3A_30, %dma_start3A_31] : memref<106496x64xf32, #tpu.memory_space<hbm>> -> memref<106496x64xf32, #tpu.memory_space<hbm>>
    %dma_start3A_33 = tpu.memref_slice %arg10[%rem3A_23] : memref<6x!tpu.dma_semaphore, #tpu.memory_space<semaphore_mem>> -> memref<1x!tpu.dma_semaphore, #tpu.memory_space<semaphore_mem>>
    %dma_start3A_34 = tpu.memref_squeeze %dma_start3A_33 : memref<1x!tpu.dma_semaphore, #tpu.memory_space<semaphore_mem>> -> memref<!tpu.dma_semaphore, #tpu.memory_space<semaphore_mem>>
    tpu.enqueue_indirect_dma source(%dma_start3A_32 : memref<106496x64xf32, #tpu.memory_space<hbm>>) target(%dma_start3A_27 : memref<128x64xf32, #tpu.memory_space<vmem>>) offsets(%dma_start3A_29 : memref<128xi32, #tpu.memory_space<vmem>>) semaphore(%dma_start3A_34 : memref<!tpu.dma_semaphore, #tpu.memory_space<semaphore_mem>>)
    %rem3A_35 = arith.constant 2 : i32
    %rem3A_36 = arith.constant 6 : i32
    %rem3A_37 = arith.remsi %rem3A_35, %rem3A_36 : i32
    %dma_start3A_38 = arith.constant 0 : i32
    %dma_start3A_39 = arith.constant 0 : i32
    %dma_start3A_40 = tpu.memref_slice %arg9[%rem3A_37, %dma_start3A_38, %dma_start3A_39] : memref<6x128x64xf32, #tpu.memory_space<vmem>> -> memref<1x128x64xf32, #tpu.memory_space<vmem>>
    %dma_start3A_41 = tpu.memref_squeeze %dma_start3A_40 : memref<1x128x64xf32, #tpu.memory_space<vmem>> -> memref<128x64xf32, #tpu.memory_space<vmem>>
    %dma_start3A_42 = arith.constant 256 : i32
    %dma_start3A_43 = tpu.memref_slice %arg8[%dma_start3A_42] : memref<8960xi32, #tpu.memory_space<vmem>> -> memref<128xi32, #tpu.memory_space<vmem>>
    %dma_start3A_44 = arith.constant 0 : i32
    %dma_start3A_45 = arith.constant 0 : i32
    %dma_start3A_46 = tpu.memref_slice %arg2[%dma_start3A_44, %dma_start3A_45] : memref<106496x64xf32, #tpu.memory_space<hbm>> -> memref<106496x64xf32, #tpu.memory_space<hbm>>
    %dma_start3A_47 = tpu.memref_slice %arg10[%rem3A_37] : memref<6x!tpu.dma_semaphore, #tpu.memory_space<semaphore_mem>> -> memref<1x!tpu.dma_semaphore, #tpu.memory_space<semaphore_mem>>
    %dma_start3A_48 = tpu.memref_squeeze %dma_start3A_47 : memref<1x!tpu.dma_semaphore, #tpu.memory_space<semaphore_mem>> -> memref<!tpu.dma_semaphore, #tpu.memory_space<semaphore_mem>>
    tpu.enqueue_indirect_dma source(%dma_start3A_46 : memref<106496x64xf32, #tpu.memory_space<hbm>>) target(%dma_start3A_41 : memref<128x64xf32, #tpu.memory_space<vmem>>) offsets(%dma_start3A_43 : memref<128xi32, #tpu.memory_space<vmem>>) semaphore(%dma_start3A_48 : memref<!tpu.dma_semaphore, #tpu.memory_space<semaphore_mem>>)
    %rem3A_49 = arith.constant 3 : i32
    %rem3A_50 = arith.constant 6 : i32
    %rem3A_51 = arith.remsi %rem3A_49, %rem3A_50 : i32
    %dma_start3A_52 = arith.constant 0 : i32
    %dma_start3A_53 = arith.constant 0 : i32
    %dma_start3A_54 = tpu.memref_slice %arg9[%rem3A_51, %dma_start3A_52, %dma_start3A_53] : memref<6x128x64xf32, #tpu.memory_space<vmem>> -> memref<1x128x64xf32, #tpu.memory_space<vmem>>
    %dma_start3A_55 = tpu.memref_squeeze %dma_start3A_54 : memref<1x128x64xf32, #tpu.memory_space<vmem>> -> memref<128x64xf32, #tpu.memory_space<vmem>>
    %dma_start3A_56 = arith.constant 384 : i32
    %dma_start3A_57 = tpu.memref_slice %arg8[%dma_start3A_56] : memref<8960xi32, #tpu.memory_space<vmem>> -> memref<128xi32, #tpu.memory_space<vmem>>
    %dma_start3A_58 = arith.constant 0 : i32
    %dma_start3A_59 = arith.constant 0 : i32
    %dma_start3A_60 = tpu.memref_slice %arg2[%dma_start3A_58, %dma_start3A_59] : memref<106496x64xf32, #tpu.memory_space<hbm>> -> memref<106496x64xf32, #tpu.memory_space<hbm>>
    %dma_start3A_61 = tpu.memref_slice %arg10[%rem3A_51] : memref<6x!tpu.dma_semaphore, #tpu.memory_space<semaphore_mem>> -> memref<1x!tpu.dma_semaphore, #tpu.memory_space<semaphore_mem>>
    %dma_start3A_62 = tpu.memref_squeeze %dma_start3A_61 : memref<1x!tpu.dma_semaphore, #tpu.memory_space<semaphore_mem>> -> memref<!tpu.dma_semaphore, #tpu.memory_space<semaphore_mem>>
    tpu.enqueue_indirect_dma source(%dma_start3A_60 : memref<106496x64xf32, #tpu.memory_space<hbm>>) target(%dma_start3A_55 : memref<128x64xf32, #tpu.memory_space<vmem>>) offsets(%dma_start3A_57 : memref<128xi32, #tpu.memory_space<vmem>>) semaphore(%dma_start3A_62 : memref<!tpu.dma_semaphore, #tpu.memory_space<semaphore_mem>>)
    %scan3A_63 = arith.constant 0 : i32
    %scan3A_64 = arith.constant 0 : i32
    %scan3A_65 = arith.constant 70 : i32
    %scan3A_66 = arith.addi %scan3A_64, %scan3A_65 : i32
    %scan3A_67 = arith.constant 1 : i32
    %scan3A_68 = scf.for %scan3A_321 = %scan3A_64 to %scan3A_66 step %scan3A_67 iter_args(%scan3A_322 = %scan3A_63) -> (i32)  : i32 {
      %add3A_323 = arith.constant 4 : i32
      %add3A_324 = arith.addi %scan3A_321, %add3A_323 : i32
      %lt3A = arith.constant 70 : i32
      %lt3A_325 = arith.cmpi slt, %add3A_324, %lt3A : i32
      %convert_element_type3A = arith.extui %lt3A_325 : i1 to i32
      %cond3A = arith.constant 0 : i32
      %cond3A_326 = arith.cmpi ne, %convert_element_type3A, %cond3A : i32
      scf.if %cond3A_326 {
        %ge3A = arith.constant 6 : i32
        %ge3A_380 = arith.cmpi sge, %add3A_324, %ge3A : i32
        %convert_element_type3A_381 = arith.extui %ge3A_380 : i1 to i32
        %cond3A_382 = arith.constant 0 : i32
        %cond3A_383 = arith.cmpi ne, %convert_element_type3A_381, %cond3A_382 : i32
        scf.if %cond3A_383 {
          %rem3A_398 = arith.constant 6 : i32
          %rem3A_399 = arith.remsi %add3A_324, %rem3A_398 : i32
          %dma_wait3A_400 = arith.constant 0 : i32
          %dma_wait3A_401 = arith.constant 0 : i32
          %dma_wait3A_402 = arith.constant 0 : i32
          %dma_wait3A_403 = tpu.memref_slice %arg9[%rem3A_399, %dma_wait3A_401, %dma_wait3A_402] : memref<6x128x64xf32, #tpu.memory_space<vmem>> -> memref<1x64x64xf32, #tpu.memory_space<vmem>>
          %dma_wait3A_404 = tpu.memref_squeeze %dma_wait3A_403 : memref<1x64x64xf32, #tpu.memory_space<vmem>> -> memref<64x64xf32, #tpu.memory_space<vmem>>
          %dma_wait3A_405 = arith.constant 0 : i32
          %dma_wait3A_406 = arith.constant 0 : i32
          %dma_wait3A_407 = tpu.memref_slice %arg5[%add3A, %dma_wait3A_400, %dma_wait3A_405, %dma_wait3A_406] : memref<32x70x64x128xf32, #tpu.memory_space<hbm>> -> memref<1x1x64x64xf32, #tpu.memory_space<hbm>>
          %dma_wait3A_408 = tpu.memref_squeeze %dma_wait3A_407 : memref<1x1x64x64xf32, #tpu.memory_space<hbm>> -> memref<64x64xf32, #tpu.memory_space<hbm>>
          %dma_wait3A_409 = tpu.memref_slice %arg11[%rem3A_399] : memref<6x!tpu.dma_semaphore, #tpu.memory_space<semaphore_mem>> -> memref<1x!tpu.dma_semaphore, #tpu.memory_space<semaphore_mem>>
          %dma_wait3A_410 = tpu.memref_squeeze %dma_wait3A_409 : memref<1x!tpu.dma_semaphore, #tpu.memory_space<semaphore_mem>> -> memref<!tpu.dma_semaphore, #tpu.memory_space<semaphore_mem>>
          %dma_wait3A_411 = arith.constant 0 : i32
          %dma_wait3A_412 = arith.constant 0 : i32
          %dma_wait3A_413 = tpu.memref_slice %arg5[%add3A, %dma_wait3A_400, %dma_wait3A_411, %dma_wait3A_412] : memref<32x70x64x128xf32, #tpu.memory_space<hbm>> -> memref<1x1x64x64xf32, #tpu.memory_space<hbm>>
          %dma_wait3A_414 = tpu.memref_squeeze %dma_wait3A_413 : memref<1x1x64x64xf32, #tpu.memory_space<hbm>> -> memref<64x64xf32, #tpu.memory_space<hbm>>
          %dma_wait3A_415 = arith.constant 0 : i32
          %dma_wait3A_416 = arith.constant 0 : i32
          %dma_wait3A_417 = tpu.memref_slice %arg9[%rem3A_399, %dma_wait3A_415, %dma_wait3A_416] : memref<6x128x64xf32, #tpu.memory_space<vmem>> -> memref<1x64x64xf32, #tpu.memory_space<vmem>>
          %dma_wait3A_418 = tpu.memref_squeeze %dma_wait3A_417 : memref<1x64x64xf32, #tpu.memory_space<vmem>> -> memref<64x64xf32, #tpu.memory_space<vmem>>
          tpu.wait_dma2 semaphore(%dma_wait3A_410 : memref<!tpu.dma_semaphore, #tpu.memory_space<semaphore_mem>>) src(%dma_wait3A_418 : memref<64x64xf32, #tpu.memory_space<vmem>>) dst(%dma_wait3A_414 : memref<64x64xf32, #tpu.memory_space<hbm>>)
          %dma_wait3A_419 = arith.constant 0 : i32
          %dma_wait3A_420 = arith.constant 0 : i32
          %dma_wait3A_421 = arith.constant 0 : i32
          %dma_wait3A_422 = tpu.memref_slice %arg9[%rem3A_399, %dma_wait3A_420, %dma_wait3A_421] : memref<6x128x64xf32, #tpu.memory_space<vmem>> -> memref<1x64x64xf32, #tpu.memory_space<vmem>>
          %dma_wait3A_423 = tpu.memref_squeeze %dma_wait3A_422 : memref<1x64x64xf32, #tpu.memory_space<vmem>> -> memref<64x64xf32, #tpu.memory_space<vmem>>
          %dma_wait3A_424 = arith.constant 0 : i32
          %dma_wait3A_425 = arith.constant 0 : i32
          %dma_wait3A_426 = tpu.memref_slice %arg5[%add3A, %dma_wait3A_419, %dma_wait3A_424, %dma_wait3A_425] : memref<32x70x64x128xf32, #tpu.memory_space<hbm>> -> memref<1x1x64x64xf32, #tpu.memory_space<hbm>>
          %dma_wait3A_427 = tpu.memref_squeeze %dma_wait3A_426 : memref<1x1x64x64xf32, #tpu.memory_space<hbm>> -> memref<64x64xf32, #tpu.memory_space<hbm>>
          %dma_wait3A_428 = tpu.memref_slice %arg11[%rem3A_399] : memref<6x!tpu.dma_semaphore, #tpu.memory_space<semaphore_mem>> -> memref<1x!tpu.dma_semaphore, #tpu.memory_space<semaphore_mem>>
          %dma_wait3A_429 = tpu.memref_squeeze %dma_wait3A_428 : memref<1x!tpu.dma_semaphore, #tpu.memory_space<semaphore_mem>> -> memref<!tpu.dma_semaphore, #tpu.memory_space<semaphore_mem>>
          %dma_wait3A_430 = arith.constant 0 : i32
          %dma_wait3A_431 = arith.constant 0 : i32
          %dma_wait3A_432 = tpu.memref_slice %arg5[%add3A, %dma_wait3A_419, %dma_wait3A_430, %dma_wait3A_431] : memref<32x70x64x128xf32, #tpu.memory_space<hbm>> -> memref<1x1x64x64xf32, #tpu.memory_space<hbm>>
          %dma_wait3A_433 = tpu.memref_squeeze %dma_wait3A_432 : memref<1x1x64x64xf32, #tpu.memory_space<hbm>> -> memref<64x64xf32, #tpu.memory_space<hbm>>
          %dma_wait3A_434 = arith.constant 0 : i32
          %dma_wait3A_435 = arith.constant 0 : i32
          %dma_wait3A_436 = tpu.memref_slice %arg9[%rem3A_399, %dma_wait3A_434, %dma_wait3A_435] : memref<6x128x64xf32, #tpu.memory_space<vmem>> -> memref<1x64x64xf32, #tpu.memory_space<vmem>>
          %dma_wait3A_437 = tpu.memref_squeeze %dma_wait3A_436 : memref<1x64x64xf32, #tpu.memory_space<vmem>> -> memref<64x64xf32, #tpu.memory_space<vmem>>
          tpu.wait_dma2 semaphore(%dma_wait3A_429 : memref<!tpu.dma_semaphore, #tpu.memory_space<semaphore_mem>>) src(%dma_wait3A_437 : memref<64x64xf32, #tpu.memory_space<vmem>>) dst(%dma_wait3A_433 : memref<64x64xf32, #tpu.memory_space<hbm>>)
        } else {
        }
        %rem3A_384 = arith.constant 6 : i32
        %rem3A_385 = arith.remsi %add3A_324, %rem3A_384 : i32
        %mul3A_386 = arith.constant 128 : i32
        %mul3A_387 = arith.muli %add3A_324, %mul3A_386 : i32
        %dma_start3A_388 = arith.constant 0 : i32
        %dma_start3A_389 = arith.constant 0 : i32
        %dma_start3A_390 = tpu.memref_slice %arg9[%rem3A_385, %dma_start3A_388, %dma_start3A_389] : memref<6x128x64xf32, #tpu.memory_space<vmem>> -> memref<1x128x64xf32, #tpu.memory_space<vmem>>
        %dma_start3A_391 = tpu.memref_squeeze %dma_start3A_390 : memref<1x128x64xf32, #tpu.memory_space<vmem>> -> memref<128x64xf32, #tpu.memory_space<vmem>>
        %dma_start3A_392 = tpu.memref_slice %arg8[%mul3A_387] : memref<8960xi32, #tpu.memory_space<vmem>> -> memref<128xi32, #tpu.memory_space<vmem>>
        %dma_start3A_393 = arith.constant 0 : i32
        %dma_start3A_394 = arith.constant 0 : i32
        %dma_start3A_395 = tpu.memref_slice %arg2[%dma_start3A_393, %dma_start3A_394] : memref<106496x64xf32, #tpu.memory_space<hbm>> -> memref<106496x64xf32, #tpu.memory_space<hbm>>
        %dma_start3A_396 = tpu.memref_slice %arg10[%rem3A_385] : memref<6x!tpu.dma_semaphore, #tpu.memory_space<semaphore_mem>> -> memref<1x!tpu.dma_semaphore, #tpu.memory_space<semaphore_mem>>
        %dma_start3A_397 = tpu.memref_squeeze %dma_start3A_396 : memref<1x!tpu.dma_semaphore, #tpu.memory_space<semaphore_mem>> -> memref<!tpu.dma_semaphore, #tpu.memory_space<semaphore_mem>>
        tpu.enqueue_indirect_dma source(%dma_start3A_395 : memref<106496x64xf32, #tpu.memory_space<hbm>>) target(%dma_start3A_391 : memref<128x64xf32, #tpu.memory_space<vmem>>) offsets(%dma_start3A_392 : memref<128xi32, #tpu.memory_space<vmem>>) semaphore(%dma_start3A_397 : memref<!tpu.dma_semaphore, #tpu.memory_space<semaphore_mem>>)
      } else {
      }
      %rem3A_327 = arith.constant 6 : i32
      %rem3A_328 = arith.remsi %scan3A_321, %rem3A_327 : i32
      %mul3A_329 = arith.constant 128 : i32
      %mul3A_330 = arith.muli %scan3A_321, %mul3A_329 : i32
      %dma_wait3A_331 = arith.constant 0 : i32
      %dma_wait3A_332 = arith.constant 0 : i32
      %dma_wait3A_333 = tpu.memref_slice %arg9[%rem3A_328, %dma_wait3A_331, %dma_wait3A_332] : memref<6x128x64xf32, #tpu.memory_space<vmem>> -> memref<1x128x64xf32, #tpu.memory_space<vmem>>
      %dma_wait3A_334 = tpu.memref_squeeze %dma_wait3A_333 : memref<1x128x64xf32, #tpu.memory_space<vmem>> -> memref<128x64xf32, #tpu.memory_space<vmem>>
      %dma_wait3A_335 = tpu.memref_slice %arg8[%mul3A_330] : memref<8960xi32, #tpu.memory_space<vmem>> -> memref<128xi32, #tpu.memory_space<vmem>>
      %dma_wait3A_336 = arith.constant 0 : i32
      %dma_wait3A_337 = arith.constant 0 : i32
      %dma_wait3A_338 = tpu.memref_slice %arg2[%dma_wait3A_336, %dma_wait3A_337] : memref<106496x64xf32, #tpu.memory_space<hbm>> -> memref<106496x64xf32, #tpu.memory_space<hbm>>
      %dma_wait3A_339 = tpu.memref_slice %arg10[%rem3A_328] : memref<6x!tpu.dma_semaphore, #tpu.memory_space<semaphore_mem>> -> memref<1x!tpu.dma_semaphore, #tpu.memory_space<semaphore_mem>>
      %dma_wait3A_340 = tpu.memref_squeeze %dma_wait3A_339 : memref<1x!tpu.dma_semaphore, #tpu.memory_space<semaphore_mem>> -> memref<!tpu.dma_semaphore, #tpu.memory_space<semaphore_mem>>
      tpu.wait_indirect_dma semaphore(%dma_wait3A_340 : memref<!tpu.dma_semaphore, #tpu.memory_space<semaphore_mem>>) src(%dma_wait3A_338 : memref<106496x64xf32, #tpu.memory_space<hbm>>) dst(%dma_wait3A_334 : memref<128x64xf32, #tpu.memory_space<vmem>>)
      %rem3A_341 = arith.constant 6 : i32
      %rem3A_342 = arith.remsi %scan3A_321, %rem3A_341 : i32
      %dma_start3A_343 = arith.constant 0 : i32
      %dma_start3A_344 = arith.constant 0 : i32
      %dma_start3A_345 = tpu.memref_slice %arg9[%rem3A_342, %dma_start3A_343, %dma_start3A_344] : memref<6x128x64xf32, #tpu.memory_space<vmem>> -> memref<1x64x64xf32, #tpu.memory_space<vmem>>
      %dma_start3A_346 = tpu.memref_squeeze %dma_start3A_345 : memref<1x64x64xf32, #tpu.memory_space<vmem>> -> memref<64x64xf32, #tpu.memory_space<vmem>>
      %dma_start3A_347 = arith.constant 0 : i32
      %dma_start3A_348 = arith.constant 0 : i32
      %dma_start3A_349 = tpu.memref_slice %arg5[%add3A, %scan3A_321, %dma_start3A_347, %dma_start3A_348] : memref<32x70x64x128xf32, #tpu.memory_space<hbm>> -> memref<1x1x64x64xf32, #tpu.memory_space<hbm>>
      %dma_start3A_350 = tpu.memref_squeeze %dma_start3A_349 : memref<1x1x64x64xf32, #tpu.memory_space<hbm>> -> memref<64x64xf32, #tpu.memory_space<hbm>>
      %dma_start3A_351 = tpu.memref_slice %arg11[%rem3A_342] : memref<6x!tpu.dma_semaphore, #tpu.memory_space<semaphore_mem>> -> memref<1x!tpu.dma_semaphore, #tpu.memory_space<semaphore_mem>>
      %dma_start3A_352 = tpu.memref_squeeze %dma_start3A_351 : memref<1x!tpu.dma_semaphore, #tpu.memory_space<semaphore_mem>> -> memref<!tpu.dma_semaphore, #tpu.memory_space<semaphore_mem>>
      %dma_start3A_353 = arith.constant 0 : i32
      %dma_start3A_354 = arith.constant 0 : i32
      %dma_start3A_355 = tpu.memref_slice %arg5[%add3A, %scan3A_321, %dma_start3A_353, %dma_start3A_354] : memref<32x70x64x128xf32, #tpu.memory_space<hbm>> -> memref<1x1x64x64xf32, #tpu.memory_space<hbm>>
      %dma_start3A_356 = tpu.memref_squeeze %dma_start3A_355 : memref<1x1x64x64xf32, #tpu.memory_space<hbm>> -> memref<64x64xf32, #tpu.memory_space<hbm>>
      %dma_start3A_357 = arith.constant 0 : i32
      %dma_start3A_358 = arith.constant 0 : i32
      %dma_start3A_359 = tpu.memref_slice %arg9[%rem3A_342, %dma_start3A_357, %dma_start3A_358] : memref<6x128x64xf32, #tpu.memory_space<vmem>> -> memref<1x64x64xf32, #tpu.memory_space<vmem>>
      %dma_start3A_360 = tpu.memref_squeeze %dma_start3A_359 : memref<1x64x64xf32, #tpu.memory_space<vmem>> -> memref<64x64xf32, #tpu.memory_space<vmem>>
      tpu.enqueue_dma source(%dma_start3A_360 : memref<64x64xf32, #tpu.memory_space<vmem>>) target(%dma_start3A_356 : memref<64x64xf32, #tpu.memory_space<hbm>>) target_semaphore(%dma_start3A_352 : memref<!tpu.dma_semaphore, #tpu.memory_space<semaphore_mem>>)
      %dma_start3A_361 = arith.constant 64 : i32
      %dma_start3A_362 = arith.constant 0 : i32
      %dma_start3A_363 = tpu.memref_slice %arg9[%rem3A_342, %dma_start3A_361, %dma_start3A_362] : memref<6x128x64xf32, #tpu.memory_space<vmem>> -> memref<1x64x64xf32, #tpu.memory_space<vmem>>
      %dma_start3A_364 = tpu.memref_squeeze %dma_start3A_363 : memref<1x64x64xf32, #tpu.memory_space<vmem>> -> memref<64x64xf32, #tpu.memory_space<vmem>>
      %dma_start3A_365 = arith.constant 0 : i32
      %dma_start3A_366 = arith.constant 64 : i32
      %dma_start3A_367 = tpu.memref_slice %arg5[%add3A, %scan3A_321, %dma_start3A_365, %dma_start3A_366] : memref<32x70x64x128xf32, #tpu.memory_space<hbm>> -> memref<1x1x64x64xf32, #tpu.memory_space<hbm>>
      %dma_start3A_368 = tpu.memref_squeeze %dma_start3A_367 : memref<1x1x64x64xf32, #tpu.memory_space<hbm>> -> memref<64x64xf32, #tpu.memory_space<hbm>>
      %dma_start3A_369 = tpu.memref_slice %arg11[%rem3A_342] : memref<6x!tpu.dma_semaphore, #tpu.memory_space<semaphore_mem>> -> memref<1x!tpu.dma_semaphore, #tpu.memory_space<semaphore_mem>>
      %dma_start3A_370 = tpu.memref_squeeze %dma_start3A_369 : memref<1x!tpu.dma_semaphore, #tpu.memory_space<semaphore_mem>> -> memref<!tpu.dma_semaphore, #tpu.memory_space<semaphore_mem>>
      %dma_start3A_371 = arith.constant 0 : i32
      %dma_start3A_372 = arith.constant 64 : i32
      %dma_start3A_373 = tpu.memref_slice %arg5[%add3A, %scan3A_321, %dma_start3A_371, %dma_start3A_372] : memref<32x70x64x128xf32, #tpu.memory_space<hbm>> -> memref<1x1x64x64xf32, #tpu.memory_space<hbm>>
      %dma_start3A_374 = tpu.memref_squeeze %dma_start3A_373 : memref<1x1x64x64xf32, #tpu.memory_space<hbm>> -> memref<64x64xf32, #tpu.memory_space<hbm>>
      %dma_start3A_375 = arith.constant 64 : i32
      %dma_start3A_376 = arith.constant 0 : i32
      %dma_start3A_377 = tpu.memref_slice %arg9[%rem3A_342, %dma_start3A_375, %dma_start3A_376] : memref<6x128x64xf32, #tpu.memory_space<vmem>> -> memref<1x64x64xf32, #tpu.memory_space<vmem>>
      %dma_start3A_378 = tpu.memref_squeeze %dma_start3A_377 : memref<1x64x64xf32, #tpu.memory_space<vmem>> -> memref<64x64xf32, #tpu.memory_space<vmem>>
      tpu.enqueue_dma source(%dma_start3A_378 : memref<64x64xf32, #tpu.memory_space<vmem>>) target(%dma_start3A_374 : memref<64x64xf32, #tpu.memory_space<hbm>>) target_semaphore(%dma_start3A_370 : memref<!tpu.dma_semaphore, #tpu.memory_space<semaphore_mem>>)
      %scan3A_379 = arith.constant 0 : i32
      scf.yield %scan3A_379 : i32
    }
    %scan3A_69 = arith.constant 70 : i32
    %dma_wait3A = arith.constant 0 : i32
    %dma_wait3A_70 = arith.constant 0 : i32
    %dma_wait3A_71 = arith.constant 0 : i32
    %dma_wait3A_72 = arith.constant 0 : i32
    %dma_wait3A_73 = arith.constant 0 : i32
    %dma_wait3A_74 = tpu.memref_slice %arg9[%dma_wait3A, %dma_wait3A_72, %dma_wait3A_73] : memref<6x128x64xf32, #tpu.memory_space<vmem>> -> memref<1x64x64xf32, #tpu.memory_space<vmem>>
    %dma_wait3A_75 = tpu.memref_squeeze %dma_wait3A_74 : memref<1x64x64xf32, #tpu.memory_space<vmem>> -> memref<64x64xf32, #tpu.memory_space<vmem>>
    %dma_wait3A_76 = arith.constant 0 : i32
    %dma_wait3A_77 = arith.constant 0 : i32
    %dma_wait3A_78 = tpu.memref_slice %arg5[%add3A, %dma_wait3A_70, %dma_wait3A_76, %dma_wait3A_77] : memref<32x70x64x128xf32, #tpu.memory_space<hbm>> -> memref<1x1x64x64xf32, #tpu.memory_space<hbm>>
    %dma_wait3A_79 = tpu.memref_squeeze %dma_wait3A_78 : memref<1x1x64x64xf32, #tpu.memory_space<hbm>> -> memref<64x64xf32, #tpu.memory_space<hbm>>
    %dma_wait3A_80 = tpu.memref_slice %arg11[%dma_wait3A_71] : memref<6x!tpu.dma_semaphore, #tpu.memory_space<semaphore_mem>> -> memref<1x!tpu.dma_semaphore, #tpu.memory_space<semaphore_mem>>
    %dma_wait3A_81 = tpu.memref_squeeze %dma_wait3A_80 : memref<1x!tpu.dma_semaphore, #tpu.memory_space<semaphore_mem>> -> memref<!tpu.dma_semaphore, #tpu.memory_space<semaphore_mem>>
    %dma_wait3A_82 = arith.constant 0 : i32
    %dma_wait3A_83 = arith.constant 0 : i32
    %dma_wait3A_84 = tpu.memref_slice %arg5[%add3A, %dma_wait3A_70, %dma_wait3A_82, %dma_wait3A_83] : memref<32x70x64x128xf32, #tpu.memory_space<hbm>> -> memref<1x1x64x64xf32, #tpu.memory_space<hbm>>
    %dma_wait3A_85 = tpu.memref_squeeze %dma_wait3A_84 : memref<1x1x64x64xf32, #tpu.memory_space<hbm>> -> memref<64x64xf32, #tpu.memory_space<hbm>>
    %dma_wait3A_86 = arith.constant 0 : i32
    %dma_wait3A_87 = arith.constant 0 : i32
    %dma_wait3A_88 = tpu.memref_slice %arg9[%dma_wait3A, %dma_wait3A_86, %dma_wait3A_87] : memref<6x128x64xf32, #tpu.memory_space<vmem>> -> memref<1x64x64xf32, #tpu.memory_space<vmem>>
    %dma_wait3A_89 = tpu.memref_squeeze %dma_wait3A_88 : memref<1x64x64xf32, #tpu.memory_space<vmem>> -> memref<64x64xf32, #tpu.memory_space<vmem>>
    tpu.wait_dma2 semaphore(%dma_wait3A_81 : memref<!tpu.dma_semaphore, #tpu.memory_space<semaphore_mem>>) src(%dma_wait3A_89 : memref<64x64xf32, #tpu.memory_space<vmem>>) dst(%dma_wait3A_85 : memref<64x64xf32, #tpu.memory_space<hbm>>)
    %dma_wait3A_90 = arith.constant 0 : i32
    %dma_wait3A_91 = arith.constant 0 : i32
    %dma_wait3A_92 = arith.constant 0 : i32
    %dma_wait3A_93 = arith.constant 0 : i32
    %dma_wait3A_94 = arith.constant 0 : i32
    %dma_wait3A_95 = tpu.memref_slice %arg9[%dma_wait3A_90, %dma_wait3A_93, %dma_wait3A_94] : memref<6x128x64xf32, #tpu.memory_space<vmem>> -> memref<1x64x64xf32, #tpu.memory_space<vmem>>
    %dma_wait3A_96 = tpu.memref_squeeze %dma_wait3A_95 : memref<1x64x64xf32, #tpu.memory_space<vmem>> -> memref<64x64xf32, #tpu.memory_space<vmem>>
    %dma_wait3A_97 = arith.constant 0 : i32
    %dma_wait3A_98 = arith.constant 0 : i32
    %dma_wait3A_99 = tpu.memref_slice %arg5[%add3A, %dma_wait3A_91, %dma_wait3A_97, %dma_wait3A_98] : memref<32x70x64x128xf32, #tpu.memory_space<hbm>> -> memref<1x1x64x64xf32, #tpu.memory_space<hbm>>
    %dma_wait3A_100 = tpu.memref_squeeze %dma_wait3A_99 : memref<1x1x64x64xf32, #tpu.memory_space<hbm>> -> memref<64x64xf32, #tpu.memory_space<hbm>>
    %dma_wait3A_101 = tpu.memref_slice %arg11[%dma_wait3A_92] : memref<6x!tpu.dma_semaphore, #tpu.memory_space<semaphore_mem>> -> memref<1x!tpu.dma_semaphore, #tpu.memory_space<semaphore_mem>>
    %dma_wait3A_102 = tpu.memref_squeeze %dma_wait3A_101 : memref<1x!tpu.dma_semaphore, #tpu.memory_space<semaphore_mem>> -> memref<!tpu.dma_semaphore, #tpu.memory_space<semaphore_mem>>
    %dma_wait3A_103 = arith.constant 0 : i32
    %dma_wait3A_104 = arith.constant 0 : i32
    %dma_wait3A_105 = tpu.memref_slice %arg5[%add3A, %dma_wait3A_91, %dma_wait3A_103, %dma_wait3A_104] : memref<32x70x64x128xf32, #tpu.memory_space<hbm>> -> memref<1x1x64x64xf32, #tpu.memory_space<hbm>>
    %dma_wait3A_106 = tpu.memref_squeeze %dma_wait3A_105 : memref<1x1x64x64xf32, #tpu.memory_space<hbm>> -> memref<64x64xf32, #tpu.memory_space<hbm>>
    %dma_wait3A_107 = arith.constant 0 : i32
    %dma_wait3A_108 = arith.constant 0 : i32
    %dma_wait3A_109 = tpu.memref_slice %arg9[%dma_wait3A_90, %dma_wait3A_107, %dma_wait3A_108] : memref<6x128x64xf32, #tpu.memory_space<vmem>> -> memref<1x64x64xf32, #tpu.memory_space<vmem>>
    %dma_wait3A_110 = tpu.memref_squeeze %dma_wait3A_109 : memref<1x64x64xf32, #tpu.memory_space<vmem>> -> memref<64x64xf32, #tpu.memory_space<vmem>>
    tpu.wait_dma2 semaphore(%dma_wait3A_102 : memref<!tpu.dma_semaphore, #tpu.memory_space<semaphore_mem>>) src(%dma_wait3A_110 : memref<64x64xf32, #tpu.memory_space<vmem>>) dst(%dma_wait3A_106 : memref<64x64xf32, #tpu.memory_space<hbm>>)
    %dma_wait3A_111 = arith.constant 1 : i32
    %dma_wait3A_112 = arith.constant 0 : i32
    %dma_wait3A_113 = arith.constant 1 : i32
    %dma_wait3A_114 = arith.constant 0 : i32
    %dma_wait3A_115 = arith.constant 0 : i32
    %dma_wait3A_116 = tpu.memref_slice %arg9[%dma_wait3A_111, %dma_wait3A_114, %dma_wait3A_115] : memref<6x128x64xf32, #tpu.memory_space<vmem>> -> memref<1x64x64xf32, #tpu.memory_space<vmem>>
    %dma_wait3A_117 = tpu.memref_squeeze %dma_wait3A_116 : memref<1x64x64xf32, #tpu.memory_space<vmem>> -> memref<64x64xf32, #tpu.memory_space<vmem>>
    %dma_wait3A_118 = arith.constant 0 : i32
    %dma_wait3A_119 = arith.constant 0 : i32
    %dma_wait3A_120 = tpu.memref_slice %arg5[%add3A, %dma_wait3A_112, %dma_wait3A_118, %dma_wait3A_119] : memref<32x70x64x128xf32, #tpu.memory_space<hbm>> -> memref<1x1x64x64xf32, #tpu.memory_space<hbm>>
    %dma_wait3A_121 = tpu.memref_squeeze %dma_wait3A_120 : memref<1x1x64x64xf32, #tpu.memory_space<hbm>> -> memref<64x64xf32, #tpu.memory_space<hbm>>
    %dma_wait3A_122 = tpu.memref_slice %arg11[%dma_wait3A_113] : memref<6x!tpu.dma_semaphore, #tpu.memory_space<semaphore_mem>> -> memref<1x!tpu.dma_semaphore, #tpu.memory_space<semaphore_mem>>
    %dma_wait3A_123 = tpu.memref_squeeze %dma_wait3A_122 : memref<1x!tpu.dma_semaphore, #tpu.memory_space<semaphore_mem>> -> memref<!tpu.dma_semaphore, #tpu.memory_space<semaphore_mem>>
    %dma_wait3A_124 = arith.constant 0 : i32
    %dma_wait3A_125 = arith.constant 0 : i32
    %dma_wait3A_126 = tpu.memref_slice %arg5[%add3A, %dma_wait3A_112, %dma_wait3A_124, %dma_wait3A_125] : memref<32x70x64x128xf32, #tpu.memory_space<hbm>> -> memref<1x1x64x64xf32, #tpu.memory_space<hbm>>
    %dma_wait3A_127 = tpu.memref_squeeze %dma_wait3A_126 : memref<1x1x64x64xf32, #tpu.memory_space<hbm>> -> memref<64x64xf32, #tpu.memory_space<hbm>>
    %dma_wait3A_128 = arith.constant 0 : i32
    %dma_wait3A_129 = arith.constant 0 : i32
    %dma_wait3A_130 = tpu.memref_slice %arg9[%dma_wait3A_111, %dma_wait3A_128, %dma_wait3A_129] : memref<6x128x64xf32, #tpu.memory_space<vmem>> -> memref<1x64x64xf32, #tpu.memory_space<vmem>>
    %dma_wait3A_131 = tpu.memref_squeeze %dma_wait3A_130 : memref<1x64x64xf32, #tpu.memory_space<vmem>> -> memref<64x64xf32, #tpu.memory_space<vmem>>
    tpu.wait_dma2 semaphore(%dma_wait3A_123 : memref<!tpu.dma_semaphore, #tpu.memory_space<semaphore_mem>>) src(%dma_wait3A_131 : memref<64x64xf32, #tpu.memory_space<vmem>>) dst(%dma_wait3A_127 : memref<64x64xf32, #tpu.memory_space<hbm>>)
    %dma_wait3A_132 = arith.constant 1 : i32
    %dma_wait3A_133 = arith.constant 0 : i32
    %dma_wait3A_134 = arith.constant 1 : i32
    %dma_wait3A_135 = arith.constant 0 : i32
    %dma_wait3A_136 = arith.constant 0 : i32
    %dma_wait3A_137 = tpu.memref_slice %arg9[%dma_wait3A_132, %dma_wait3A_135, %dma_wait3A_136] : memref<6x128x64xf32, #tpu.memory_space<vmem>> -> memref<1x64x64xf32, #tpu.memory_space<vmem>>
    %dma_wait3A_138 = tpu.memref_squeeze %dma_wait3A_137 : memref<1x64x64xf32, #tpu.memory_space<vmem>> -> memref<64x64xf32, #tpu.memory_space<vmem>>
    %dma_wait3A_139 = arith.constant 0 : i32
    %dma_wait3A_140 = arith.constant 0 : i32
    %dma_wait3A_141 = tpu.memref_slice %arg5[%add3A, %dma_wait3A_133, %dma_wait3A_139, %dma_wait3A_140] : memref<32x70x64x128xf32, #tpu.memory_space<hbm>> -> memref<1x1x64x64xf32, #tpu.memory_space<hbm>>
    %dma_wait3A_142 = tpu.memref_squeeze %dma_wait3A_141 : memref<1x1x64x64xf32, #tpu.memory_space<hbm>> -> memref<64x64xf32, #tpu.memory_space<hbm>>
    %dma_wait3A_143 = tpu.memref_slice %arg11[%dma_wait3A_134] : memref<6x!tpu.dma_semaphore, #tpu.memory_space<semaphore_mem>> -> memref<1x!tpu.dma_semaphore, #tpu.memory_space<semaphore_mem>>
    %dma_wait3A_144 = tpu.memref_squeeze %dma_wait3A_143 : memref<1x!tpu.dma_semaphore, #tpu.memory_space<semaphore_mem>> -> memref<!tpu.dma_semaphore, #tpu.memory_space<semaphore_mem>>
    %dma_wait3A_145 = arith.constant 0 : i32
    %dma_wait3A_146 = arith.constant 0 : i32
    %dma_wait3A_147 = tpu.memref_slice %arg5[%add3A, %dma_wait3A_133, %dma_wait3A_145, %dma_wait3A_146] : memref<32x70x64x128xf32, #tpu.memory_space<hbm>> -> memref<1x1x64x64xf32, #tpu.memory_space<hbm>>
    %dma_wait3A_148 = tpu.memref_squeeze %dma_wait3A_147 : memref<1x1x64x64xf32, #tpu.memory_space<hbm>> -> memref<64x64xf32, #tpu.memory_space<hbm>>
    %dma_wait3A_149 = arith.constant 0 : i32
    %dma_wait3A_150 = arith.constant 0 : i32
    %dma_wait3A_151 = tpu.memref_slice %arg9[%dma_wait3A_132, %dma_wait3A_149, %dma_wait3A_150] : memref<6x128x64xf32, #tpu.memory_space<vmem>> -> memref<1x64x64xf32, #tpu.memory_space<vmem>>
    %dma_wait3A_152 = tpu.memref_squeeze %dma_wait3A_151 : memref<1x64x64xf32, #tpu.memory_space<vmem>> -> memref<64x64xf32, #tpu.memory_space<vmem>>
    tpu.wait_dma2 semaphore(%dma_wait3A_144 : memref<!tpu.dma_semaphore, #tpu.memory_space<semaphore_mem>>) src(%dma_wait3A_152 : memref<64x64xf32, #tpu.memory_space<vmem>>) dst(%dma_wait3A_148 : memref<64x64xf32, #tpu.memory_space<hbm>>)
    %dma_wait3A_153 = arith.constant 2 : i32
    %dma_wait3A_154 = arith.constant 0 : i32
    %dma_wait3A_155 = arith.constant 2 : i32
    %dma_wait3A_156 = arith.constant 0 : i32
    %dma_wait3A_157 = arith.constant 0 : i32
    %dma_wait3A_158 = tpu.memref_slice %arg9[%dma_wait3A_153, %dma_wait3A_156, %dma_wait3A_157] : memref<6x128x64xf32, #tpu.memory_space<vmem>> -> memref<1x64x64xf32, #tpu.memory_space<vmem>>
    %dma_wait3A_159 = tpu.memref_squeeze %dma_wait3A_158 : memref<1x64x64xf32, #tpu.memory_space<vmem>> -> memref<64x64xf32, #tpu.memory_space<vmem>>
    %dma_wait3A_160 = arith.constant 0 : i32
    %dma_wait3A_161 = arith.constant 0 : i32
    %dma_wait3A_162 = tpu.memref_slice %arg5[%add3A, %dma_wait3A_154, %dma_wait3A_160, %dma_wait3A_161] : memref<32x70x64x128xf32, #tpu.memory_space<hbm>> -> memref<1x1x64x64xf32, #tpu.memory_space<hbm>>
    %dma_wait3A_163 = tpu.memref_squeeze %dma_wait3A_162 : memref<1x1x64x64xf32, #tpu.memory_space<hbm>> -> memref<64x64xf32, #tpu.memory_space<hbm>>
    %dma_wait3A_164 = tpu.memref_slice %arg11[%dma_wait3A_155] : memref<6x!tpu.dma_semaphore, #tpu.memory_space<semaphore_mem>> -> memref<1x!tpu.dma_semaphore, #tpu.memory_space<semaphore_mem>>
    %dma_wait3A_165 = tpu.memref_squeeze %dma_wait3A_164 : memref<1x!tpu.dma_semaphore, #tpu.memory_space<semaphore_mem>> -> memref<!tpu.dma_semaphore, #tpu.memory_space<semaphore_mem>>
    %dma_wait3A_166 = arith.constant 0 : i32
    %dma_wait3A_167 = arith.constant 0 : i32
    %dma_wait3A_168 = tpu.memref_slice %arg5[%add3A, %dma_wait3A_154, %dma_wait3A_166, %dma_wait3A_167] : memref<32x70x64x128xf32, #tpu.memory_space<hbm>> -> memref<1x1x64x64xf32, #tpu.memory_space<hbm>>
    %dma_wait3A_169 = tpu.memref_squeeze %dma_wait3A_168 : memref<1x1x64x64xf32, #tpu.memory_space<hbm>> -> memref<64x64xf32, #tpu.memory_space<hbm>>
    %dma_wait3A_170 = arith.constant 0 : i32
    %dma_wait3A_171 = arith.constant 0 : i32
    %dma_wait3A_172 = tpu.memref_slice %arg9[%dma_wait3A_153, %dma_wait3A_170, %dma_wait3A_171] : memref<6x128x64xf32, #tpu.memory_space<vmem>> -> memref<1x64x64xf32, #tpu.memory_space<vmem>>
    %dma_wait3A_173 = tpu.memref_squeeze %dma_wait3A_172 : memref<1x64x64xf32, #tpu.memory_space<vmem>> -> memref<64x64xf32, #tpu.memory_space<vmem>>
    tpu.wait_dma2 semaphore(%dma_wait3A_165 : memref<!tpu.dma_semaphore, #tpu.memory_space<semaphore_mem>>) src(%dma_wait3A_173 : memref<64x64xf32, #tpu.memory_space<vmem>>) dst(%dma_wait3A_169 : memref<64x64xf32, #tpu.memory_space<hbm>>)
    %dma_wait3A_174 = arith.constant 2 : i32
    %dma_wait3A_175 = arith.constant 0 : i32
    %dma_wait3A_176 = arith.constant 2 : i32
    %dma_wait3A_177 = arith.constant 0 : i32
    %dma_wait3A_178 = arith.constant 0 : i32
    %dma_wait3A_179 = tpu.memref_slice %arg9[%dma_wait3A_174, %dma_wait3A_177, %dma_wait3A_178] : memref<6x128x64xf32, #tpu.memory_space<vmem>> -> memref<1x64x64xf32, #tpu.memory_space<vmem>>
    %dma_wait3A_180 = tpu.memref_squeeze %dma_wait3A_179 : memref<1x64x64xf32, #tpu.memory_space<vmem>> -> memref<64x64xf32, #tpu.memory_space<vmem>>
    %dma_wait3A_181 = arith.constant 0 : i32
    %dma_wait3A_182 = arith.constant 0 : i32
    %dma_wait3A_183 = tpu.memref_slice %arg5[%add3A, %dma_wait3A_175, %dma_wait3A_181, %dma_wait3A_182] : memref<32x70x64x128xf32, #tpu.memory_space<hbm>> -> memref<1x1x64x64xf32, #tpu.memory_space<hbm>>
    %dma_wait3A_184 = tpu.memref_squeeze %dma_wait3A_183 : memref<1x1x64x64xf32, #tpu.memory_space<hbm>> -> memref<64x64xf32, #tpu.memory_space<hbm>>
    %dma_wait3A_185 = tpu.memref_slice %arg11[%dma_wait3A_176] : memref<6x!tpu.dma_semaphore, #tpu.memory_space<semaphore_mem>> -> memref<1x!tpu.dma_semaphore, #tpu.memory_space<semaphore_mem>>
    %dma_wait3A_186 = tpu.memref_squeeze %dma_wait3A_185 : memref<1x!tpu.dma_semaphore, #tpu.memory_space<semaphore_mem>> -> memref<!tpu.dma_semaphore, #tpu.memory_space<semaphore_mem>>
    %dma_wait3A_187 = arith.constant 0 : i32
    %dma_wait3A_188 = arith.constant 0 : i32
    %dma_wait3A_189 = tpu.memref_slice %arg5[%add3A, %dma_wait3A_175, %dma_wait3A_187, %dma_wait3A_188] : memref<32x70x64x128xf32, #tpu.memory_space<hbm>> -> memref<1x1x64x64xf32, #tpu.memory_space<hbm>>
    %dma_wait3A_190 = tpu.memref_squeeze %dma_wait3A_189 : memref<1x1x64x64xf32, #tpu.memory_space<hbm>> -> memref<64x64xf32, #tpu.memory_space<hbm>>
    %dma_wait3A_191 = arith.constant 0 : i32
    %dma_wait3A_192 = arith.constant 0 : i32
    %dma_wait3A_193 = tpu.memref_slice %arg9[%dma_wait3A_174, %dma_wait3A_191, %dma_wait3A_192] : memref<6x128x64xf32, #tpu.memory_space<vmem>> -> memref<1x64x64xf32, #tpu.memory_space<vmem>>
    %dma_wait3A_194 = tpu.memref_squeeze %dma_wait3A_193 : memref<1x64x64xf32, #tpu.memory_space<vmem>> -> memref<64x64xf32, #tpu.memory_space<vmem>>
    tpu.wait_dma2 semaphore(%dma_wait3A_186 : memref<!tpu.dma_semaphore, #tpu.memory_space<semaphore_mem>>) src(%dma_wait3A_194 : memref<64x64xf32, #tpu.memory_space<vmem>>) dst(%dma_wait3A_190 : memref<64x64xf32, #tpu.memory_space<hbm>>)
    %dma_wait3A_195 = arith.constant 3 : i32
    %dma_wait3A_196 = arith.constant 0 : i32
    %dma_wait3A_197 = arith.constant 3 : i32
    %dma_wait3A_198 = arith.constant 0 : i32
    %dma_wait3A_199 = arith.constant 0 : i32
    %dma_wait3A_200 = tpu.memref_slice %arg9[%dma_wait3A_195, %dma_wait3A_198, %dma_wait3A_199] : memref<6x128x64xf32, #tpu.memory_space<vmem>> -> memref<1x64x64xf32, #tpu.memory_space<vmem>>
    %dma_wait3A_201 = tpu.memref_squeeze %dma_wait3A_200 : memref<1x64x64xf32, #tpu.memory_space<vmem>> -> memref<64x64xf32, #tpu.memory_space<vmem>>
    %dma_wait3A_202 = arith.constant 0 : i32
    %dma_wait3A_203 = arith.constant 0 : i32
    %dma_wait3A_204 = tpu.memref_slice %arg5[%add3A, %dma_wait3A_196, %dma_wait3A_202, %dma_wait3A_203] : memref<32x70x64x128xf32, #tpu.memory_space<hbm>> -> memref<1x1x64x64xf32, #tpu.memory_space<hbm>>
    %dma_wait3A_205 = tpu.memref_squeeze %dma_wait3A_204 : memref<1x1x64x64xf32, #tpu.memory_space<hbm>> -> memref<64x64xf32, #tpu.memory_space<hbm>>
    %dma_wait3A_206 = tpu.memref_slice %arg11[%dma_wait3A_197] : memref<6x!tpu.dma_semaphore, #tpu.memory_space<semaphore_mem>> -> memref<1x!tpu.dma_semaphore, #tpu.memory_space<semaphore_mem>>
    %dma_wait3A_207 = tpu.memref_squeeze %dma_wait3A_206 : memref<1x!tpu.dma_semaphore, #tpu.memory_space<semaphore_mem>> -> memref<!tpu.dma_semaphore, #tpu.memory_space<semaphore_mem>>
    %dma_wait3A_208 = arith.constant 0 : i32
    %dma_wait3A_209 = arith.constant 0 : i32
    %dma_wait3A_210 = tpu.memref_slice %arg5[%add3A, %dma_wait3A_196, %dma_wait3A_208, %dma_wait3A_209] : memref<32x70x64x128xf32, #tpu.memory_space<hbm>> -> memref<1x1x64x64xf32, #tpu.memory_space<hbm>>
    %dma_wait3A_211 = tpu.memref_squeeze %dma_wait3A_210 : memref<1x1x64x64xf32, #tpu.memory_space<hbm>> -> memref<64x64xf32, #tpu.memory_space<hbm>>
    %dma_wait3A_212 = arith.constant 0 : i32
    %dma_wait3A_213 = arith.constant 0 : i32
    %dma_wait3A_214 = tpu.memref_slice %arg9[%dma_wait3A_195, %dma_wait3A_212, %dma_wait3A_213] : memref<6x128x64xf32, #tpu.memory_space<vmem>> -> memref<1x64x64xf32, #tpu.memory_space<vmem>>
    %dma_wait3A_215 = tpu.memref_squeeze %dma_wait3A_214 : memref<1x64x64xf32, #tpu.memory_space<vmem>> -> memref<64x64xf32, #tpu.memory_space<vmem>>
    tpu.wait_dma2 semaphore(%dma_wait3A_207 : memref<!tpu.dma_semaphore, #tpu.memory_space<semaphore_mem>>) src(%dma_wait3A_215 : memref<64x64xf32, #tpu.memory_space<vmem>>) dst(%dma_wait3A_211 : memref<64x64xf32, #tpu.memory_space<hbm>>)
    %dma_wait3A_216 = arith.constant 3 : i32
    %dma_wait3A_217 = arith.constant 0 : i32
    %dma_wait3A_218 = arith.constant 3 : i32
    %dma_wait3A_219 = arith.constant 0 : i32
    %dma_wait3A_220 = arith.constant 0 : i32
    %dma_wait3A_221 = tpu.memref_slice %arg9[%dma_wait3A_216, %dma_wait3A_219, %dma_wait3A_220] : memref<6x128x64xf32, #tpu.memory_space<vmem>> -> memref<1x64x64xf32, #tpu.memory_space<vmem>>
    %dma_wait3A_222 = tpu.memref_squeeze %dma_wait3A_221 : memref<1x64x64xf32, #tpu.memory_space<vmem>> -> memref<64x64xf32, #tpu.memory_space<vmem>>
    %dma_wait3A_223 = arith.constant 0 : i32
    %dma_wait3A_224 = arith.constant 0 : i32
    %dma_wait3A_225 = tpu.memref_slice %arg5[%add3A, %dma_wait3A_217, %dma_wait3A_223, %dma_wait3A_224] : memref<32x70x64x128xf32, #tpu.memory_space<hbm>> -> memref<1x1x64x64xf32, #tpu.memory_space<hbm>>
    %dma_wait3A_226 = tpu.memref_squeeze %dma_wait3A_225 : memref<1x1x64x64xf32, #tpu.memory_space<hbm>> -> memref<64x64xf32, #tpu.memory_space<hbm>>
    %dma_wait3A_227 = tpu.memref_slice %arg11[%dma_wait3A_218] : memref<6x!tpu.dma_semaphore, #tpu.memory_space<semaphore_mem>> -> memref<1x!tpu.dma_semaphore, #tpu.memory_space<semaphore_mem>>
    %dma_wait3A_228 = tpu.memref_squeeze %dma_wait3A_227 : memref<1x!tpu.dma_semaphore, #tpu.memory_space<semaphore_mem>> -> memref<!tpu.dma_semaphore, #tpu.memory_space<semaphore_mem>>
    %dma_wait3A_229 = arith.constant 0 : i32
    %dma_wait3A_230 = arith.constant 0 : i32
    %dma_wait3A_231 = tpu.memref_slice %arg5[%add3A, %dma_wait3A_217, %dma_wait3A_229, %dma_wait3A_230] : memref<32x70x64x128xf32, #tpu.memory_space<hbm>> -> memref<1x1x64x64xf32, #tpu.memory_space<hbm>>
    %dma_wait3A_232 = tpu.memref_squeeze %dma_wait3A_231 : memref<1x1x64x64xf32, #tpu.memory_space<hbm>> -> memref<64x64xf32, #tpu.memory_space<hbm>>
    %dma_wait3A_233 = arith.constant 0 : i32
    %dma_wait3A_234 = arith.constant 0 : i32
    %dma_wait3A_235 = tpu.memref_slice %arg9[%dma_wait3A_216, %dma_wait3A_233, %dma_wait3A_234] : memref<6x128x64xf32, #tpu.memory_space<vmem>> -> memref<1x64x64xf32, #tpu.memory_space<vmem>>
    %dma_wait3A_236 = tpu.memref_squeeze %dma_wait3A_235 : memref<1x64x64xf32, #tpu.memory_space<vmem>> -> memref<64x64xf32, #tpu.memory_space<vmem>>
    tpu.wait_dma2 semaphore(%dma_wait3A_228 : memref<!tpu.dma_semaphore, #tpu.memory_space<semaphore_mem>>) src(%dma_wait3A_236 : memref<64x64xf32, #tpu.memory_space<vmem>>) dst(%dma_wait3A_232 : memref<64x64xf32, #tpu.memory_space<hbm>>)
    %dma_wait3A_237 = arith.constant 4 : i32
    %dma_wait3A_238 = arith.constant 0 : i32
    %dma_wait3A_239 = arith.constant 4 : i32
    %dma_wait3A_240 = arith.constant 0 : i32
    %dma_wait3A_241 = arith.constant 0 : i32
    %dma_wait3A_242 = tpu.memref_slice %arg9[%dma_wait3A_237, %dma_wait3A_240, %dma_wait3A_241] : memref<6x128x64xf32, #tpu.memory_space<vmem>> -> memref<1x64x64xf32, #tpu.memory_space<vmem>>
    %dma_wait3A_243 = tpu.memref_squeeze %dma_wait3A_242 : memref<1x64x64xf32, #tpu.memory_space<vmem>> -> memref<64x64xf32, #tpu.memory_space<vmem>>
    %dma_wait3A_244 = arith.constant 0 : i32
    %dma_wait3A_245 = arith.constant 0 : i32
    %dma_wait3A_246 = tpu.memref_slice %arg5[%add3A, %dma_wait3A_238, %dma_wait3A_244, %dma_wait3A_245] : memref<32x70x64x128xf32, #tpu.memory_space<hbm>> -> memref<1x1x64x64xf32, #tpu.memory_space<hbm>>
    %dma_wait3A_247 = tpu.memref_squeeze %dma_wait3A_246 : memref<1x1x64x64xf32, #tpu.memory_space<hbm>> -> memref<64x64xf32, #tpu.memory_space<hbm>>
    %dma_wait3A_248 = tpu.memref_slice %arg11[%dma_wait3A_239] : memref<6x!tpu.dma_semaphore, #tpu.memory_space<semaphore_mem>> -> memref<1x!tpu.dma_semaphore, #tpu.memory_space<semaphore_mem>>
    %dma_wait3A_249 = tpu.memref_squeeze %dma_wait3A_248 : memref<1x!tpu.dma_semaphore, #tpu.memory_space<semaphore_mem>> -> memref<!tpu.dma_semaphore, #tpu.memory_space<semaphore_mem>>
    %dma_wait3A_250 = arith.constant 0 : i32
    %dma_wait3A_251 = arith.constant 0 : i32
    %dma_wait3A_252 = tpu.memref_slice %arg5[%add3A, %dma_wait3A_238, %dma_wait3A_250, %dma_wait3A_251] : memref<32x70x64x128xf32, #tpu.memory_space<hbm>> -> memref<1x1x64x64xf32, #tpu.memory_space<hbm>>
    %dma_wait3A_253 = tpu.memref_squeeze %dma_wait3A_252 : memref<1x1x64x64xf32, #tpu.memory_space<hbm>> -> memref<64x64xf32, #tpu.memory_space<hbm>>
    %dma_wait3A_254 = arith.constant 0 : i32
    %dma_wait3A_255 = arith.constant 0 : i32
    %dma_wait3A_256 = tpu.memref_slice %arg9[%dma_wait3A_237, %dma_wait3A_254, %dma_wait3A_255] : memref<6x128x64xf32, #tpu.memory_space<vmem>> -> memref<1x64x64xf32, #tpu.memory_space<vmem>>
    %dma_wait3A_257 = tpu.memref_squeeze %dma_wait3A_256 : memref<1x64x64xf32, #tpu.memory_space<vmem>> -> memref<64x64xf32, #tpu.memory_space<vmem>>
    tpu.wait_dma2 semaphore(%dma_wait3A_249 : memref<!tpu.dma_semaphore, #tpu.memory_space<semaphore_mem>>) src(%dma_wait3A_257 : memref<64x64xf32, #tpu.memory_space<vmem>>) dst(%dma_wait3A_253 : memref<64x64xf32, #tpu.memory_space<hbm>>)
    %dma_wait3A_258 = arith.constant 4 : i32
    %dma_wait3A_259 = arith.constant 0 : i32
    %dma_wait3A_260 = arith.constant 4 : i32
    %dma_wait3A_261 = arith.constant 0 : i32
    %dma_wait3A_262 = arith.constant 0 : i32
    %dma_wait3A_263 = tpu.memref_slice %arg9[%dma_wait3A_258, %dma_wait3A_261, %dma_wait3A_262] : memref<6x128x64xf32, #tpu.memory_space<vmem>> -> memref<1x64x64xf32, #tpu.memory_space<vmem>>
    %dma_wait3A_264 = tpu.memref_squeeze %dma_wait3A_263 : memref<1x64x64xf32, #tpu.memory_space<vmem>> -> memref<64x64xf32, #tpu.memory_space<vmem>>
    %dma_wait3A_265 = arith.constant 0 : i32
    %dma_wait3A_266 = arith.constant 0 : i32
    %dma_wait3A_267 = tpu.memref_slice %arg5[%add3A, %dma_wait3A_259, %dma_wait3A_265, %dma_wait3A_266] : memref<32x70x64x128xf32, #tpu.memory_space<hbm>> -> memref<1x1x64x64xf32, #tpu.memory_space<hbm>>
    %dma_wait3A_268 = tpu.memref_squeeze %dma_wait3A_267 : memref<1x1x64x64xf32, #tpu.memory_space<hbm>> -> memref<64x64xf32, #tpu.memory_space<hbm>>
    %dma_wait3A_269 = tpu.memref_slice %arg11[%dma_wait3A_260] : memref<6x!tpu.dma_semaphore, #tpu.memory_space<semaphore_mem>> -> memref<1x!tpu.dma_semaphore, #tpu.memory_space<semaphore_mem>>
    %dma_wait3A_270 = tpu.memref_squeeze %dma_wait3A_269 : memref<1x!tpu.dma_semaphore, #tpu.memory_space<semaphore_mem>> -> memref<!tpu.dma_semaphore, #tpu.memory_space<semaphore_mem>>
    %dma_wait3A_271 = arith.constant 0 : i32
    %dma_wait3A_272 = arith.constant 0 : i32
    %dma_wait3A_273 = tpu.memref_slice %arg5[%add3A, %dma_wait3A_259, %dma_wait3A_271, %dma_wait3A_272] : memref<32x70x64x128xf32, #tpu.memory_space<hbm>> -> memref<1x1x64x64xf32, #tpu.memory_space<hbm>>
    %dma_wait3A_274 = tpu.memref_squeeze %dma_wait3A_273 : memref<1x1x64x64xf32, #tpu.memory_space<hbm>> -> memref<64x64xf32, #tpu.memory_space<hbm>>
    %dma_wait3A_275 = arith.constant 0 : i32
    %dma_wait3A_276 = arith.constant 0 : i32
    %dma_wait3A_277 = tpu.memref_slice %arg9[%dma_wait3A_258, %dma_wait3A_275, %dma_wait3A_276] : memref<6x128x64xf32, #tpu.memory_space<vmem>> -> memref<1x64x64xf32, #tpu.memory_space<vmem>>
    %dma_wait3A_278 = tpu.memref_squeeze %dma_wait3A_277 : memref<1x64x64xf32, #tpu.memory_space<vmem>> -> memref<64x64xf32, #tpu.memory_space<vmem>>
    tpu.wait_dma2 semaphore(%dma_wait3A_270 : memref<!tpu.dma_semaphore, #tpu.memory_space<semaphore_mem>>) src(%dma_wait3A_278 : memref<64x64xf32, #tpu.memory_space<vmem>>) dst(%dma_wait3A_274 : memref<64x64xf32, #tpu.memory_space<hbm>>)
    %dma_wait3A_279 = arith.constant 5 : i32
    %dma_wait3A_280 = arith.constant 0 : i32
    %dma_wait3A_281 = arith.constant 5 : i32
    %dma_wait3A_282 = arith.constant 0 : i32
    %dma_wait3A_283 = arith.constant 0 : i32
    %dma_wait3A_284 = tpu.memref_slice %arg9[%dma_wait3A_279, %dma_wait3A_282, %dma_wait3A_283] : memref<6x128x64xf32, #tpu.memory_space<vmem>> -> memref<1x64x64xf32, #tpu.memory_space<vmem>>
    %dma_wait3A_285 = tpu.memref_squeeze %dma_wait3A_284 : memref<1x64x64xf32, #tpu.memory_space<vmem>> -> memref<64x64xf32, #tpu.memory_space<vmem>>
    %dma_wait3A_286 = arith.constant 0 : i32
    %dma_wait3A_287 = arith.constant 0 : i32
    %dma_wait3A_288 = tpu.memref_slice %arg5[%add3A, %dma_wait3A_280, %dma_wait3A_286, %dma_wait3A_287] : memref<32x70x64x128xf32, #tpu.memory_space<hbm>> -> memref<1x1x64x64xf32, #tpu.memory_space<hbm>>
    %dma_wait3A_289 = tpu.memref_squeeze %dma_wait3A_288 : memref<1x1x64x64xf32, #tpu.memory_space<hbm>> -> memref<64x64xf32, #tpu.memory_space<hbm>>
    %dma_wait3A_290 = tpu.memref_slice %arg11[%dma_wait3A_281] : memref<6x!tpu.dma_semaphore, #tpu.memory_space<semaphore_mem>> -> memref<1x!tpu.dma_semaphore, #tpu.memory_space<semaphore_mem>>
    %dma_wait3A_291 = tpu.memref_squeeze %dma_wait3A_290 : memref<1x!tpu.dma_semaphore, #tpu.memory_space<semaphore_mem>> -> memref<!tpu.dma_semaphore, #tpu.memory_space<semaphore_mem>>
    %dma_wait3A_292 = arith.constant 0 : i32
    %dma_wait3A_293 = arith.constant 0 : i32
    %dma_wait3A_294 = tpu.memref_slice %arg5[%add3A, %dma_wait3A_280, %dma_wait3A_292, %dma_wait3A_293] : memref<32x70x64x128xf32, #tpu.memory_space<hbm>> -> memref<1x1x64x64xf32, #tpu.memory_space<hbm>>
    %dma_wait3A_295 = tpu.memref_squeeze %dma_wait3A_294 : memref<1x1x64x64xf32, #tpu.memory_space<hbm>> -> memref<64x64xf32, #tpu.memory_space<hbm>>
    %dma_wait3A_296 = arith.constant 0 : i32
    %dma_wait3A_297 = arith.constant 0 : i32
    %dma_wait3A_298 = tpu.memref_slice %arg9[%dma_wait3A_279, %dma_wait3A_296, %dma_wait3A_297] : memref<6x128x64xf32, #tpu.memory_space<vmem>> -> memref<1x64x64xf32, #tpu.memory_space<vmem>>
    %dma_wait3A_299 = tpu.memref_squeeze %dma_wait3A_298 : memref<1x64x64xf32, #tpu.memory_space<vmem>> -> memref<64x64xf32, #tpu.memory_space<vmem>>
    tpu.wait_dma2 semaphore(%dma_wait3A_291 : memref<!tpu.dma_semaphore, #tpu.memory_space<semaphore_mem>>) src(%dma_wait3A_299 : memref<64x64xf32, #tpu.memory_space<vmem>>) dst(%dma_wait3A_295 : memref<64x64xf32, #tpu.memory_space<hbm>>)
    %dma_wait3A_300 = arith.constant 5 : i32
    %dma_wait3A_301 = arith.constant 0 : i32
    %dma_wait3A_302 = arith.constant 5 : i32
    %dma_wait3A_303 = arith.constant 0 : i32
    %dma_wait3A_304 = arith.constant 0 : i32
    %dma_wait3A_305 = tpu.memref_slice %arg9[%dma_wait3A_300, %dma_wait3A_303, %dma_wait3A_304] : memref<6x128x64xf32, #tpu.memory_space<vmem>> -> memref<1x64x64xf32, #tpu.memory_space<vmem>>
    %dma_wait3A_306 = tpu.memref_squeeze %dma_wait3A_305 : memref<1x64x64xf32, #tpu.memory_space<vmem>> -> memref<64x64xf32, #tpu.memory_space<vmem>>
    %dma_wait3A_307 = arith.constant 0 : i32
    %dma_wait3A_308 = arith.constant 0 : i32
    %dma_wait3A_309 = tpu.memref_slice %arg5[%add3A, %dma_wait3A_301, %dma_wait3A_307, %dma_wait3A_308] : memref<32x70x64x128xf32, #tpu.memory_space<hbm>> -> memref<1x1x64x64xf32, #tpu.memory_space<hbm>>
    %dma_wait3A_310 = tpu.memref_squeeze %dma_wait3A_309 : memref<1x1x64x64xf32, #tpu.memory_space<hbm>> -> memref<64x64xf32, #tpu.memory_space<hbm>>
    %dma_wait3A_311 = tpu.memref_slice %arg11[%dma_wait3A_302] : memref<6x!tpu.dma_semaphore, #tpu.memory_space<semaphore_mem>> -> memref<1x!tpu.dma_semaphore, #tpu.memory_space<semaphore_mem>>
    %dma_wait3A_312 = tpu.memref_squeeze %dma_wait3A_311 : memref<1x!tpu.dma_semaphore, #tpu.memory_space<semaphore_mem>> -> memref<!tpu.dma_semaphore, #tpu.memory_space<semaphore_mem>>
    %dma_wait3A_313 = arith.constant 0 : i32
    %dma_wait3A_314 = arith.constant 0 : i32
    %dma_wait3A_315 = tpu.memref_slice %arg5[%add3A, %dma_wait3A_301, %dma_wait3A_313, %dma_wait3A_314] : memref<32x70x64x128xf32, #tpu.memory_space<hbm>> -> memref<1x1x64x64xf32, #tpu.memory_space<hbm>>
    %dma_wait3A_316 = tpu.memref_squeeze %dma_wait3A_315 : memref<1x1x64x64xf32, #tpu.memory_space<hbm>> -> memref<64x64xf32, #tpu.memory_space<hbm>>
    %dma_wait3A_317 = arith.constant 0 : i32
    %dma_wait3A_318 = arith.constant 0 : i32
    %dma_wait3A_319 = tpu.memref_slice %arg9[%dma_wait3A_300, %dma_wait3A_317, %dma_wait3A_318] : memref<6x128x64xf32, #tpu.memory_space<vmem>> -> memref<1x64x64xf32, #tpu.memory_space<vmem>>
    %dma_wait3A_320 = tpu.memref_squeeze %dma_wait3A_319 : memref<1x64x64xf32, #tpu.memory_space<vmem>> -> memref<64x64xf32, #tpu.memory_space<vmem>>
    tpu.wait_dma2 semaphore(%dma_wait3A_312 : memref<!tpu.dma_semaphore, #tpu.memory_space<semaphore_mem>>) src(%dma_wait3A_320 : memref<64x64xf32, #tpu.memory_space<vmem>>) dst(%dma_wait3A_316 : memref<64x64xf32, #tpu.memory_space<hbm>>)
    return
  }
}

#map = affine_map<(d0, d1) -> (0, 0)>
#map1 = affine_map<(d0, d1) -> (0)>
#map2 = affine_map<(d0, d1) -> (0, 0, 0)>
module attributes {stable_mosaic.version = 14 : i64} {
  func.func @k(%arg0: i32, %arg1: i32, %arg2: memref<106496x64xf32, #tpu.memory_space<hbm>>, %arg3: memref<4096xi32, #tpu.memory_space<hbm>>, %arg4: memref<32x64x128xf32, #tpu.memory_space<hbm>>, %arg5: memref<128xi32, #tpu.memory_space<vmem>>, %arg6: memref<128xi32, #tpu.memory_space<vmem>>, %arg7: memref<2x64x64xf32, #tpu.memory_space<vmem>>, %arg8: memref<2x!tpu.dma_semaphore, #tpu.memory_space<semaphore_mem>>) attributes {dimension_semantics = [#tpu.dimension_semantics<core_parallel>, #tpu.dimension_semantics<subcore_parallel>], iteration_bounds = array<i64: 2, 16>, scalar_prefetch = 0 : i64, scratch_operands = 4 : i64, tpu.core_type = #tpu.core_type<sc_vector_subcore>, window_params = [{transform_indices = #map}, {transform_indices = #map1}, {transform_indices = #map2}]} {
    %mul3A = arith.constant 2 : i32
    %mul3A_0 = arith.muli %arg1, %mul3A : i32
    %add3A = arith.addi %mul3A_0, %arg0 : i32
    %mul3A_1 = arith.constant 128 : i32
    %mul3A_2 = arith.muli %add3A, %mul3A_1 : i32
    "tpu.region"() ({
      %run_scoped3A_281 = tpu.sem_alloc : memref<!tpu.dma_semaphore, #tpu.memory_space<semaphore_mem>>
      %dma_start3A_282 = tpu.memref_slice %arg3[%mul3A_2] : memref<4096xi32, #tpu.memory_space<hbm>> -> memref<128xi32, #tpu.memory_space<hbm>>
      %dma_start3A_283 = tpu.memref_slice %arg3[%mul3A_2] : memref<4096xi32, #tpu.memory_space<hbm>> -> memref<128xi32, #tpu.memory_space<hbm>>
      tpu.enqueue_dma source(%dma_start3A_283 : memref<128xi32, #tpu.memory_space<hbm>>) target(%arg5 : memref<128xi32, #tpu.memory_space<vmem>>) target_semaphore(%run_scoped3A_281 : memref<!tpu.dma_semaphore, #tpu.memory_space<semaphore_mem>>)
      %dma_wait3A_284 = tpu.memref_slice %arg3[%mul3A_2] : memref<4096xi32, #tpu.memory_space<hbm>> -> memref<128xi32, #tpu.memory_space<hbm>>
      %dma_wait3A_285 = tpu.memref_slice %arg3[%mul3A_2] : memref<4096xi32, #tpu.memory_space<hbm>> -> memref<128xi32, #tpu.memory_space<hbm>>
      tpu.wait_dma2 semaphore(%run_scoped3A_281 : memref<!tpu.dma_semaphore, #tpu.memory_space<semaphore_mem>>) src(%dma_wait3A_285 : memref<128xi32, #tpu.memory_space<hbm>>) dst(%arg5 : memref<128xi32, #tpu.memory_space<vmem>>)
      tpu.yield
    }) : () -> ()
    %iota3A = tpu.iota {dimensions = array<i32: 0>} : vector<16xi32>
    %mul3A_3 = arith.constant 2 : i32
    %mul3A_4 = vector.broadcast %mul3A_3 : i32 to vector<16xi32>
    %mul3A_5 = arith.muli %iota3A, %mul3A_4 : vector<16xi32>
    %add3A_6 = arith.constant 0 : i32
    %add3A_7 = vector.broadcast %add3A_6 : i32 to vector<16xi32>
    %add3A_8 = arith.addi %mul3A_5, %add3A_7 : vector<16xi32>
    %gather3A = tpu.vector_load_idx %arg5[%add3A_8] : memref<128xi32, #tpu.memory_space<vmem>>[vector<16xi32>], vector<16xi32>,
    %shift_right_arithmetic3A = arith.constant 13 : i32
    %shift_right_arithmetic3A_9 = vector.broadcast %shift_right_arithmetic3A : i32 to vector<16xi32>
    %shift_right_arithmetic3A_10 = arith.shrsi %gather3A, %shift_right_arithmetic3A_9 : vector<16xi32>
    %and3A = arith.constant 8191 : i32
    %and3A_11 = vector.broadcast %and3A : i32 to vector<16xi32>
    %and3A_12 = arith.andi %gather3A, %and3A_11 : vector<16xi32>
    %shift_left3A = arith.constant 13 : i32
    %shift_left3A_13 = vector.broadcast %shift_left3A : i32 to vector<16xi32>
    %shift_left3A_14 = arith.shli %shift_right_arithmetic3A_10, %shift_left3A_13 : vector<16xi32>
    %and3A_15 = arith.constant 4095 : i32
    %and3A_16 = vector.broadcast %and3A_15 : i32 to vector<16xi32>
    %and3A_17 = arith.andi %and3A_12, %and3A_16 : vector<16xi32>
    %shift_left3A_18 = arith.constant 1 : i32
    %shift_left3A_19 = vector.broadcast %shift_left3A_18 : i32 to vector<16xi32>
    %shift_left3A_20 = arith.shli %and3A_17, %shift_left3A_19 : vector<16xi32>
    %add3A_21 = arith.addi %shift_left3A_14, %shift_left3A_20 : vector<16xi32>
    %shift_right_arithmetic3A_22 = arith.constant 12 : i32
    %shift_right_arithmetic3A_23 = vector.broadcast %shift_right_arithmetic3A_22 : i32 to vector<16xi32>
    %shift_right_arithmetic3A_24 = arith.shrsi %and3A_12, %shift_right_arithmetic3A_23 : vector<16xi32>
    %add3A_25 = arith.addi %add3A_21, %shift_right_arithmetic3A_24 : vector<16xi32>
    %swap3A = arith.constant 0 : index
    %swap3A_26 = tpu.vector_load %arg6[%swap3A] {strides = array<i32>} : memref<128xi32, #tpu.memory_space<vmem>>, vector<16xi32>,
    tpu.vector_store %arg6[%swap3A], %add3A_25 {strides = array<i32>} : memref<128xi32, #tpu.memory_space<vmem>>, vector<16xi32>,
    %mul3A_27 = arith.constant 2 : i32
    %mul3A_28 = vector.broadcast %mul3A_27 : i32 to vector<16xi32>
    %mul3A_29 = arith.muli %iota3A, %mul3A_28 : vector<16xi32>
    %add3A_30 = arith.constant 32 : i32
    %add3A_31 = vector.broadcast %add3A_30 : i32 to vector<16xi32>
    %add3A_32 = arith.addi %mul3A_29, %add3A_31 : vector<16xi32>
    %gather3A_33 = tpu.vector_load_idx %arg5[%add3A_32] : memref<128xi32, #tpu.memory_space<vmem>>[vector<16xi32>], vector<16xi32>,
    %shift_right_arithmetic3A_34 = arith.constant 13 : i32
    %shift_right_arithmetic3A_35 = vector.broadcast %shift_right_arithmetic3A_34 : i32 to vector<16xi32>
    %shift_right_arithmetic3A_36 = arith.shrsi %gather3A_33, %shift_right_arithmetic3A_35 : vector<16xi32>
    %and3A_37 = arith.constant 8191 : i32
    %and3A_38 = vector.broadcast %and3A_37 : i32 to vector<16xi32>
    %and3A_39 = arith.andi %gather3A_33, %and3A_38 : vector<16xi32>
    %shift_left3A_40 = arith.constant 13 : i32
    %shift_left3A_41 = vector.broadcast %shift_left3A_40 : i32 to vector<16xi32>
    %shift_left3A_42 = arith.shli %shift_right_arithmetic3A_36, %shift_left3A_41 : vector<16xi32>
    %and3A_43 = arith.constant 4095 : i32
    %and3A_44 = vector.broadcast %and3A_43 : i32 to vector<16xi32>
    %and3A_45 = arith.andi %and3A_39, %and3A_44 : vector<16xi32>
    %shift_left3A_46 = arith.constant 1 : i32
    %shift_left3A_47 = vector.broadcast %shift_left3A_46 : i32 to vector<16xi32>
    %shift_left3A_48 = arith.shli %and3A_45, %shift_left3A_47 : vector<16xi32>
    %add3A_49 = arith.addi %shift_left3A_42, %shift_left3A_48 : vector<16xi32>
    %shift_right_arithmetic3A_50 = arith.constant 12 : i32
    %shift_right_arithmetic3A_51 = vector.broadcast %shift_right_arithmetic3A_50 : i32 to vector<16xi32>
    %shift_right_arithmetic3A_52 = arith.shrsi %and3A_39, %shift_right_arithmetic3A_51 : vector<16xi32>
    %add3A_53 = arith.addi %add3A_49, %shift_right_arithmetic3A_52 : vector<16xi32>
    %swap3A_54 = arith.constant 16 : index
    %swap3A_55 = tpu.vector_load %arg6[%swap3A_54] {strides = array<i32>} : memref<128xi32, #tpu.memory_space<vmem>>, vector<16xi32>,
    tpu.vector_store %arg6[%swap3A_54], %add3A_53 {strides = array<i32>} : memref<128xi32, #tpu.memory_space<vmem>>, vector<16xi32>,
    %mul3A_56 = arith.constant 2 : i32
    %mul3A_57 = vector.broadcast %mul3A_56 : i32 to vector<16xi32>
    %mul3A_58 = arith.muli %iota3A, %mul3A_57 : vector<16xi32>
    %add3A_59 = arith.constant 64 : i32
    %add3A_60 = vector.broadcast %add3A_59 : i32 to vector<16xi32>
    %add3A_61 = arith.addi %mul3A_58, %add3A_60 : vector<16xi32>
    %gather3A_62 = tpu.vector_load_idx %arg5[%add3A_61] : memref<128xi32, #tpu.memory_space<vmem>>[vector<16xi32>], vector<16xi32>,
    %shift_right_arithmetic3A_63 = arith.constant 13 : i32
    %shift_right_arithmetic3A_64 = vector.broadcast %shift_right_arithmetic3A_63 : i32 to vector<16xi32>
    %shift_right_arithmetic3A_65 = arith.shrsi %gather3A_62, %shift_right_arithmetic3A_64 : vector<16xi32>
    %and3A_66 = arith.constant 8191 : i32
    %and3A_67 = vector.broadcast %and3A_66 : i32 to vector<16xi32>
    %and3A_68 = arith.andi %gather3A_62, %and3A_67 : vector<16xi32>
    %shift_left3A_69 = arith.constant 13 : i32
    %shift_left3A_70 = vector.broadcast %shift_left3A_69 : i32 to vector<16xi32>
    %shift_left3A_71 = arith.shli %shift_right_arithmetic3A_65, %shift_left3A_70 : vector<16xi32>
    %and3A_72 = arith.constant 4095 : i32
    %and3A_73 = vector.broadcast %and3A_72 : i32 to vector<16xi32>
    %and3A_74 = arith.andi %and3A_68, %and3A_73 : vector<16xi32>
    %shift_left3A_75 = arith.constant 1 : i32
    %shift_left3A_76 = vector.broadcast %shift_left3A_75 : i32 to vector<16xi32>
    %shift_left3A_77 = arith.shli %and3A_74, %shift_left3A_76 : vector<16xi32>
    %add3A_78 = arith.addi %shift_left3A_71, %shift_left3A_77 : vector<16xi32>
    %shift_right_arithmetic3A_79 = arith.constant 12 : i32
    %shift_right_arithmetic3A_80 = vector.broadcast %shift_right_arithmetic3A_79 : i32 to vector<16xi32>
    %shift_right_arithmetic3A_81 = arith.shrsi %and3A_68, %shift_right_arithmetic3A_80 : vector<16xi32>
    %add3A_82 = arith.addi %add3A_78, %shift_right_arithmetic3A_81 : vector<16xi32>
    %swap3A_83 = arith.constant 32 : index
    %swap3A_84 = tpu.vector_load %arg6[%swap3A_83] {strides = array<i32>} : memref<128xi32, #tpu.memory_space<vmem>>, vector<16xi32>,
    tpu.vector_store %arg6[%swap3A_83], %add3A_82 {strides = array<i32>} : memref<128xi32, #tpu.memory_space<vmem>>, vector<16xi32>,
    %mul3A_85 = arith.constant 2 : i32
    %mul3A_86 = vector.broadcast %mul3A_85 : i32 to vector<16xi32>
    %mul3A_87 = arith.muli %iota3A, %mul3A_86 : vector<16xi32>
    %add3A_88 = arith.constant 96 : i32
    %add3A_89 = vector.broadcast %add3A_88 : i32 to vector<16xi32>
    %add3A_90 = arith.addi %mul3A_87, %add3A_89 : vector<16xi32>
    %gather3A_91 = tpu.vector_load_idx %arg5[%add3A_90] : memref<128xi32, #tpu.memory_space<vmem>>[vector<16xi32>], vector<16xi32>,
    %shift_right_arithmetic3A_92 = arith.constant 13 : i32
    %shift_right_arithmetic3A_93 = vector.broadcast %shift_right_arithmetic3A_92 : i32 to vector<16xi32>
    %shift_right_arithmetic3A_94 = arith.shrsi %gather3A_91, %shift_right_arithmetic3A_93 : vector<16xi32>
    %and3A_95 = arith.constant 8191 : i32
    %and3A_96 = vector.broadcast %and3A_95 : i32 to vector<16xi32>
    %and3A_97 = arith.andi %gather3A_91, %and3A_96 : vector<16xi32>
    %shift_left3A_98 = arith.constant 13 : i32
    %shift_left3A_99 = vector.broadcast %shift_left3A_98 : i32 to vector<16xi32>
    %shift_left3A_100 = arith.shli %shift_right_arithmetic3A_94, %shift_left3A_99 : vector<16xi32>
    %and3A_101 = arith.constant 4095 : i32
    %and3A_102 = vector.broadcast %and3A_101 : i32 to vector<16xi32>
    %and3A_103 = arith.andi %and3A_97, %and3A_102 : vector<16xi32>
    %shift_left3A_104 = arith.constant 1 : i32
    %shift_left3A_105 = vector.broadcast %shift_left3A_104 : i32 to vector<16xi32>
    %shift_left3A_106 = arith.shli %and3A_103, %shift_left3A_105 : vector<16xi32>
    %add3A_107 = arith.addi %shift_left3A_100, %shift_left3A_106 : vector<16xi32>
    %shift_right_arithmetic3A_108 = arith.constant 12 : i32
    %shift_right_arithmetic3A_109 = vector.broadcast %shift_right_arithmetic3A_108 : i32 to vector<16xi32>
    %shift_right_arithmetic3A_110 = arith.shrsi %and3A_97, %shift_right_arithmetic3A_109 : vector<16xi32>
    %add3A_111 = arith.addi %add3A_107, %shift_right_arithmetic3A_110 : vector<16xi32>
    %swap3A_112 = arith.constant 48 : index
    %swap3A_113 = tpu.vector_load %arg6[%swap3A_112] {strides = array<i32>} : memref<128xi32, #tpu.memory_space<vmem>>, vector<16xi32>,
    tpu.vector_store %arg6[%swap3A_112], %add3A_111 {strides = array<i32>} : memref<128xi32, #tpu.memory_space<vmem>>, vector<16xi32>,
    %mul3A_114 = arith.constant 2 : i32
    %mul3A_115 = vector.broadcast %mul3A_114 : i32 to vector<16xi32>
    %mul3A_116 = arith.muli %iota3A, %mul3A_115 : vector<16xi32>
    %add3A_117 = arith.constant 1 : i32
    %add3A_118 = vector.broadcast %add3A_117 : i32 to vector<16xi32>
    %add3A_119 = arith.addi %mul3A_116, %add3A_118 : vector<16xi32>
    %gather3A_120 = tpu.vector_load_idx %arg5[%add3A_119] : memref<128xi32, #tpu.memory_space<vmem>>[vector<16xi32>], vector<16xi32>,
    %shift_right_arithmetic3A_121 = arith.constant 13 : i32
    %shift_right_arithmetic3A_122 = vector.broadcast %shift_right_arithmetic3A_121 : i32 to vector<16xi32>
    %shift_right_arithmetic3A_123 = arith.shrsi %gather3A_120, %shift_right_arithmetic3A_122 : vector<16xi32>
    %and3A_124 = arith.constant 8191 : i32
    %and3A_125 = vector.broadcast %and3A_124 : i32 to vector<16xi32>
    %and3A_126 = arith.andi %gather3A_120, %and3A_125 : vector<16xi32>
    %shift_left3A_127 = arith.constant 13 : i32
    %shift_left3A_128 = vector.broadcast %shift_left3A_127 : i32 to vector<16xi32>
    %shift_left3A_129 = arith.shli %shift_right_arithmetic3A_123, %shift_left3A_128 : vector<16xi32>
    %and3A_130 = arith.constant 4095 : i32
    %and3A_131 = vector.broadcast %and3A_130 : i32 to vector<16xi32>
    %and3A_132 = arith.andi %and3A_126, %and3A_131 : vector<16xi32>
    %shift_left3A_133 = arith.constant 1 : i32
    %shift_left3A_134 = vector.broadcast %shift_left3A_133 : i32 to vector<16xi32>
    %shift_left3A_135 = arith.shli %and3A_132, %shift_left3A_134 : vector<16xi32>
    %add3A_136 = arith.addi %shift_left3A_129, %shift_left3A_135 : vector<16xi32>
    %shift_right_arithmetic3A_137 = arith.constant 12 : i32
    %shift_right_arithmetic3A_138 = vector.broadcast %shift_right_arithmetic3A_137 : i32 to vector<16xi32>
    %shift_right_arithmetic3A_139 = arith.shrsi %and3A_126, %shift_right_arithmetic3A_138 : vector<16xi32>
    %add3A_140 = arith.addi %add3A_136, %shift_right_arithmetic3A_139 : vector<16xi32>
    %swap3A_141 = arith.constant 64 : index
    %swap3A_142 = tpu.vector_load %arg6[%swap3A_141] {strides = array<i32>} : memref<128xi32, #tpu.memory_space<vmem>>, vector<16xi32>,
    tpu.vector_store %arg6[%swap3A_141], %add3A_140 {strides = array<i32>} : memref<128xi32, #tpu.memory_space<vmem>>, vector<16xi32>,
    %mul3A_143 = arith.constant 2 : i32
    %mul3A_144 = vector.broadcast %mul3A_143 : i32 to vector<16xi32>
    %mul3A_145 = arith.muli %iota3A, %mul3A_144 : vector<16xi32>
    %add3A_146 = arith.constant 33 : i32
    %add3A_147 = vector.broadcast %add3A_146 : i32 to vector<16xi32>
    %add3A_148 = arith.addi %mul3A_145, %add3A_147 : vector<16xi32>
    %gather3A_149 = tpu.vector_load_idx %arg5[%add3A_148] : memref<128xi32, #tpu.memory_space<vmem>>[vector<16xi32>], vector<16xi32>,
    %shift_right_arithmetic3A_150 = arith.constant 13 : i32
    %shift_right_arithmetic3A_151 = vector.broadcast %shift_right_arithmetic3A_150 : i32 to vector<16xi32>
    %shift_right_arithmetic3A_152 = arith.shrsi %gather3A_149, %shift_right_arithmetic3A_151 : vector<16xi32>
    %and3A_153 = arith.constant 8191 : i32
    %and3A_154 = vector.broadcast %and3A_153 : i32 to vector<16xi32>
    %and3A_155 = arith.andi %gather3A_149, %and3A_154 : vector<16xi32>
    %shift_left3A_156 = arith.constant 13 : i32
    %shift_left3A_157 = vector.broadcast %shift_left3A_156 : i32 to vector<16xi32>
    %shift_left3A_158 = arith.shli %shift_right_arithmetic3A_152, %shift_left3A_157 : vector<16xi32>
    %and3A_159 = arith.constant 4095 : i32
    %and3A_160 = vector.broadcast %and3A_159 : i32 to vector<16xi32>
    %and3A_161 = arith.andi %and3A_155, %and3A_160 : vector<16xi32>
    %shift_left3A_162 = arith.constant 1 : i32
    %shift_left3A_163 = vector.broadcast %shift_left3A_162 : i32 to vector<16xi32>
    %shift_left3A_164 = arith.shli %and3A_161, %shift_left3A_163 : vector<16xi32>
    %add3A_165 = arith.addi %shift_left3A_158, %shift_left3A_164 : vector<16xi32>
    %shift_right_arithmetic3A_166 = arith.constant 12 : i32
    %shift_right_arithmetic3A_167 = vector.broadcast %shift_right_arithmetic3A_166 : i32 to vector<16xi32>
    %shift_right_arithmetic3A_168 = arith.shrsi %and3A_155, %shift_right_arithmetic3A_167 : vector<16xi32>
    %add3A_169 = arith.addi %add3A_165, %shift_right_arithmetic3A_168 : vector<16xi32>
    %swap3A_170 = arith.constant 80 : index
    %swap3A_171 = tpu.vector_load %arg6[%swap3A_170] {strides = array<i32>} : memref<128xi32, #tpu.memory_space<vmem>>, vector<16xi32>,
    tpu.vector_store %arg6[%swap3A_170], %add3A_169 {strides = array<i32>} : memref<128xi32, #tpu.memory_space<vmem>>, vector<16xi32>,
    %mul3A_172 = arith.constant 2 : i32
    %mul3A_173 = vector.broadcast %mul3A_172 : i32 to vector<16xi32>
    %mul3A_174 = arith.muli %iota3A, %mul3A_173 : vector<16xi32>
    %add3A_175 = arith.constant 65 : i32
    %add3A_176 = vector.broadcast %add3A_175 : i32 to vector<16xi32>
    %add3A_177 = arith.addi %mul3A_174, %add3A_176 : vector<16xi32>
    %gather3A_178 = tpu.vector_load_idx %arg5[%add3A_177] : memref<128xi32, #tpu.memory_space<vmem>>[vector<16xi32>], vector<16xi32>,
    %shift_right_arithmetic3A_179 = arith.constant 13 : i32
    %shift_right_arithmetic3A_180 = vector.broadcast %shift_right_arithmetic3A_179 : i32 to vector<16xi32>
    %shift_right_arithmetic3A_181 = arith.shrsi %gather3A_178, %shift_right_arithmetic3A_180 : vector<16xi32>
    %and3A_182 = arith.constant 8191 : i32
    %and3A_183 = vector.broadcast %and3A_182 : i32 to vector<16xi32>
    %and3A_184 = arith.andi %gather3A_178, %and3A_183 : vector<16xi32>
    %shift_left3A_185 = arith.constant 13 : i32
    %shift_left3A_186 = vector.broadcast %shift_left3A_185 : i32 to vector<16xi32>
    %shift_left3A_187 = arith.shli %shift_right_arithmetic3A_181, %shift_left3A_186 : vector<16xi32>
    %and3A_188 = arith.constant 4095 : i32
    %and3A_189 = vector.broadcast %and3A_188 : i32 to vector<16xi32>
    %and3A_190 = arith.andi %and3A_184, %and3A_189 : vector<16xi32>
    %shift_left3A_191 = arith.constant 1 : i32
    %shift_left3A_192 = vector.broadcast %shift_left3A_191 : i32 to vector<16xi32>
    %shift_left3A_193 = arith.shli %and3A_190, %shift_left3A_192 : vector<16xi32>
    %add3A_194 = arith.addi %shift_left3A_187, %shift_left3A_193 : vector<16xi32>
    %shift_right_arithmetic3A_195 = arith.constant 12 : i32
    %shift_right_arithmetic3A_196 = vector.broadcast %shift_right_arithmetic3A_195 : i32 to vector<16xi32>
    %shift_right_arithmetic3A_197 = arith.shrsi %and3A_184, %shift_right_arithmetic3A_196 : vector<16xi32>
    %add3A_198 = arith.addi %add3A_194, %shift_right_arithmetic3A_197 : vector<16xi32>
    %swap3A_199 = arith.constant 96 : index
    %swap3A_200 = tpu.vector_load %arg6[%swap3A_199] {strides = array<i32>} : memref<128xi32, #tpu.memory_space<vmem>>, vector<16xi32>,
    tpu.vector_store %arg6[%swap3A_199], %add3A_198 {strides = array<i32>} : memref<128xi32, #tpu.memory_space<vmem>>, vector<16xi32>,
    %mul3A_201 = arith.constant 2 : i32
    %mul3A_202 = vector.broadcast %mul3A_201 : i32 to vector<16xi32>
    %mul3A_203 = arith.muli %iota3A, %mul3A_202 : vector<16xi32>
    %add3A_204 = arith.constant 97 : i32
    %add3A_205 = vector.broadcast %add3A_204 : i32 to vector<16xi32>
    %add3A_206 = arith.addi %mul3A_203, %add3A_205 : vector<16xi32>
    %gather3A_207 = tpu.vector_load_idx %arg5[%add3A_206] : memref<128xi32, #tpu.memory_space<vmem>>[vector<16xi32>], vector<16xi32>,
    %shift_right_arithmetic3A_208 = arith.constant 13 : i32
    %shift_right_arithmetic3A_209 = vector.broadcast %shift_right_arithmetic3A_208 : i32 to vector<16xi32>
    %shift_right_arithmetic3A_210 = arith.shrsi %gather3A_207, %shift_right_arithmetic3A_209 : vector<16xi32>
    %and3A_211 = arith.constant 8191 : i32
    %and3A_212 = vector.broadcast %and3A_211 : i32 to vector<16xi32>
    %and3A_213 = arith.andi %gather3A_207, %and3A_212 : vector<16xi32>
    %shift_left3A_214 = arith.constant 13 : i32
    %shift_left3A_215 = vector.broadcast %shift_left3A_214 : i32 to vector<16xi32>
    %shift_left3A_216 = arith.shli %shift_right_arithmetic3A_210, %shift_left3A_215 : vector<16xi32>
    %and3A_217 = arith.constant 4095 : i32
    %and3A_218 = vector.broadcast %and3A_217 : i32 to vector<16xi32>
    %and3A_219 = arith.andi %and3A_213, %and3A_218 : vector<16xi32>
    %shift_left3A_220 = arith.constant 1 : i32
    %shift_left3A_221 = vector.broadcast %shift_left3A_220 : i32 to vector<16xi32>
    %shift_left3A_222 = arith.shli %and3A_219, %shift_left3A_221 : vector<16xi32>
    %add3A_223 = arith.addi %shift_left3A_216, %shift_left3A_222 : vector<16xi32>
    %shift_right_arithmetic3A_224 = arith.constant 12 : i32
    %shift_right_arithmetic3A_225 = vector.broadcast %shift_right_arithmetic3A_224 : i32 to vector<16xi32>
    %shift_right_arithmetic3A_226 = arith.shrsi %and3A_213, %shift_right_arithmetic3A_225 : vector<16xi32>
    %add3A_227 = arith.addi %add3A_223, %shift_right_arithmetic3A_226 : vector<16xi32>
    %swap3A_228 = arith.constant 112 : index
    %swap3A_229 = tpu.vector_load %arg6[%swap3A_228] {strides = array<i32>} : memref<128xi32, #tpu.memory_space<vmem>>, vector<16xi32>,
    tpu.vector_store %arg6[%swap3A_228], %add3A_227 {strides = array<i32>} : memref<128xi32, #tpu.memory_space<vmem>>, vector<16xi32>,
    %dma_start3A = arith.constant 0 : i32
    %dma_start3A_230 = arith.constant 0 : i32
    %dma_start3A_231 = arith.constant 0 : i32
    %dma_start3A_232 = arith.constant 0 : i32
    %dma_start3A_233 = tpu.memref_slice %arg7[%dma_start3A, %dma_start3A_231, %dma_start3A_232] : memref<2x64x64xf32, #tpu.memory_space<vmem>> -> memref<1x64x64xf32, #tpu.memory_space<vmem>>
    %dma_start3A_234 = tpu.memref_squeeze %dma_start3A_233 : memref<1x64x64xf32, #tpu.memory_space<vmem>> -> memref<64x64xf32, #tpu.memory_space<vmem>>
    %dma_start3A_235 = arith.constant 0 : i32
    %dma_start3A_236 = tpu.memref_slice %arg6[%dma_start3A_235] : memref<128xi32, #tpu.memory_space<vmem>> -> memref<64xi32, #tpu.memory_space<vmem>>
    %dma_start3A_237 = arith.constant 0 : i32
    %dma_start3A_238 = arith.constant 0 : i32
    %dma_start3A_239 = tpu.memref_slice %arg2[%dma_start3A_237, %dma_start3A_238] : memref<106496x64xf32, #tpu.memory_space<hbm>> -> memref<106496x64xf32, #tpu.memory_space<hbm>>
    %dma_start3A_240 = tpu.memref_slice %arg8[%dma_start3A_230] : memref<2x!tpu.dma_semaphore, #tpu.memory_space<semaphore_mem>> -> memref<1x!tpu.dma_semaphore, #tpu.memory_space<semaphore_mem>>
    %dma_start3A_241 = tpu.memref_squeeze %dma_start3A_240 : memref<1x!tpu.dma_semaphore, #tpu.memory_space<semaphore_mem>> -> memref<!tpu.dma_semaphore, #tpu.memory_space<semaphore_mem>>
    tpu.enqueue_indirect_dma source(%dma_start3A_239 : memref<106496x64xf32, #tpu.memory_space<hbm>>) target(%dma_start3A_234 : memref<64x64xf32, #tpu.memory_space<vmem>>) offsets(%dma_start3A_236 : memref<64xi32, #tpu.memory_space<vmem>>) semaphore(%dma_start3A_241 : memref<!tpu.dma_semaphore, #tpu.memory_space<semaphore_mem>>)
    %dma_wait3A = arith.constant 0 : i32
    %dma_wait3A_242 = arith.constant 0 : i32
    %dma_wait3A_243 = arith.constant 0 : i32
    %dma_wait3A_244 = arith.constant 0 : i32
    %dma_wait3A_245 = tpu.memref_slice %arg7[%dma_wait3A, %dma_wait3A_243, %dma_wait3A_244] : memref<2x64x64xf32, #tpu.memory_space<vmem>> -> memref<1x64x64xf32, #tpu.memory_space<vmem>>
    %dma_wait3A_246 = tpu.memref_squeeze %dma_wait3A_245 : memref<1x64x64xf32, #tpu.memory_space<vmem>> -> memref<64x64xf32, #tpu.memory_space<vmem>>
    %dma_wait3A_247 = arith.constant 0 : i32
    %dma_wait3A_248 = tpu.memref_slice %arg6[%dma_wait3A_247] : memref<128xi32, #tpu.memory_space<vmem>> -> memref<64xi32, #tpu.memory_space<vmem>>
    %dma_wait3A_249 = arith.constant 0 : i32
    %dma_wait3A_250 = arith.constant 0 : i32
    %dma_wait3A_251 = tpu.memref_slice %arg2[%dma_wait3A_249, %dma_wait3A_250] : memref<106496x64xf32, #tpu.memory_space<hbm>> -> memref<106496x64xf32, #tpu.memory_space<hbm>>
    %dma_wait3A_252 = tpu.memref_slice %arg8[%dma_wait3A_242] : memref<2x!tpu.dma_semaphore, #tpu.memory_space<semaphore_mem>> -> memref<1x!tpu.dma_semaphore, #tpu.memory_space<semaphore_mem>>
    %dma_wait3A_253 = tpu.memref_squeeze %dma_wait3A_252 : memref<1x!tpu.dma_semaphore, #tpu.memory_space<semaphore_mem>> -> memref<!tpu.dma_semaphore, #tpu.memory_space<semaphore_mem>>
    tpu.wait_indirect_dma semaphore(%dma_wait3A_253 : memref<!tpu.dma_semaphore, #tpu.memory_space<semaphore_mem>>) src(%dma_wait3A_251 : memref<106496x64xf32, #tpu.memory_space<hbm>>) dst(%dma_wait3A_246 : memref<64x64xf32, #tpu.memory_space<vmem>>)
    %run_scoped3A = arith.constant 0 : i32
    "tpu.region"() ({
      %run_scoped3A_281 = tpu.sem_alloc : memref<!tpu.dma_semaphore, #tpu.memory_space<semaphore_mem>>
      %dma_start3A_282 = arith.constant 0 : i32
      %dma_start3A_283 = arith.constant 0 : i32
      %dma_start3A_284 = tpu.memref_slice %arg7[%run_scoped3A, %dma_start3A_282, %dma_start3A_283] : memref<2x64x64xf32, #tpu.memory_space<vmem>> -> memref<1x64x64xf32, #tpu.memory_space<vmem>>
      %dma_start3A_285 = tpu.memref_squeeze %dma_start3A_284 : memref<1x64x64xf32, #tpu.memory_space<vmem>> -> memref<64x64xf32, #tpu.memory_space<vmem>>
      %dma_start3A_286 = arith.constant 0 : i32
      %dma_start3A_287 = arith.constant 0 : i32
      %dma_start3A_288 = tpu.memref_slice %arg4[%add3A, %dma_start3A_286, %dma_start3A_287] : memref<32x64x128xf32, #tpu.memory_space<hbm>> -> memref<1x64x64xf32, #tpu.memory_space<hbm>>
      %dma_start3A_289 = tpu.memref_squeeze %dma_start3A_288 : memref<1x64x64xf32, #tpu.memory_space<hbm>> -> memref<64x64xf32, #tpu.memory_space<hbm>>
      %dma_start3A_290 = arith.constant 0 : i32
      %dma_start3A_291 = arith.constant 0 : i32
      %dma_start3A_292 = tpu.memref_slice %arg4[%add3A, %dma_start3A_290, %dma_start3A_291] : memref<32x64x128xf32, #tpu.memory_space<hbm>> -> memref<1x64x64xf32, #tpu.memory_space<hbm>>
      %dma_start3A_293 = tpu.memref_squeeze %dma_start3A_292 : memref<1x64x64xf32, #tpu.memory_space<hbm>> -> memref<64x64xf32, #tpu.memory_space<hbm>>
      %dma_start3A_294 = arith.constant 0 : i32
      %dma_start3A_295 = arith.constant 0 : i32
      %dma_start3A_296 = tpu.memref_slice %arg7[%run_scoped3A, %dma_start3A_294, %dma_start3A_295] : memref<2x64x64xf32, #tpu.memory_space<vmem>> -> memref<1x64x64xf32, #tpu.memory_space<vmem>>
      %dma_start3A_297 = tpu.memref_squeeze %dma_start3A_296 : memref<1x64x64xf32, #tpu.memory_space<vmem>> -> memref<64x64xf32, #tpu.memory_space<vmem>>
      tpu.enqueue_dma source(%dma_start3A_297 : memref<64x64xf32, #tpu.memory_space<vmem>>) target(%dma_start3A_293 : memref<64x64xf32, #tpu.memory_space<hbm>>) target_semaphore(%run_scoped3A_281 : memref<!tpu.dma_semaphore, #tpu.memory_space<semaphore_mem>>)
      %dma_wait3A_298 = arith.constant 0 : i32
      %dma_wait3A_299 = arith.constant 0 : i32
      %dma_wait3A_300 = tpu.memref_slice %arg7[%run_scoped3A, %dma_wait3A_298, %dma_wait3A_299] : memref<2x64x64xf32, #tpu.memory_space<vmem>> -> memref<1x64x64xf32, #tpu.memory_space<vmem>>
      %dma_wait3A_301 = tpu.memref_squeeze %dma_wait3A_300 : memref<1x64x64xf32, #tpu.memory_space<vmem>> -> memref<64x64xf32, #tpu.memory_space<vmem>>
      %dma_wait3A_302 = arith.constant 0 : i32
      %dma_wait3A_303 = arith.constant 0 : i32
      %dma_wait3A_304 = tpu.memref_slice %arg4[%add3A, %dma_wait3A_302, %dma_wait3A_303] : memref<32x64x128xf32, #tpu.memory_space<hbm>> -> memref<1x64x64xf32, #tpu.memory_space<hbm>>
      %dma_wait3A_305 = tpu.memref_squeeze %dma_wait3A_304 : memref<1x64x64xf32, #tpu.memory_space<hbm>> -> memref<64x64xf32, #tpu.memory_space<hbm>>
      %dma_wait3A_306 = arith.constant 0 : i32
      %dma_wait3A_307 = arith.constant 0 : i32
      %dma_wait3A_308 = tpu.memref_slice %arg4[%add3A, %dma_wait3A_306, %dma_wait3A_307] : memref<32x64x128xf32, #tpu.memory_space<hbm>> -> memref<1x64x64xf32, #tpu.memory_space<hbm>>
      %dma_wait3A_309 = tpu.memref_squeeze %dma_wait3A_308 : memref<1x64x64xf32, #tpu.memory_space<hbm>> -> memref<64x64xf32, #tpu.memory_space<hbm>>
      %dma_wait3A_310 = arith.constant 0 : i32
      %dma_wait3A_311 = arith.constant 0 : i32
      %dma_wait3A_312 = tpu.memref_slice %arg7[%run_scoped3A, %dma_wait3A_310, %dma_wait3A_311] : memref<2x64x64xf32, #tpu.memory_space<vmem>> -> memref<1x64x64xf32, #tpu.memory_space<vmem>>
      %dma_wait3A_313 = tpu.memref_squeeze %dma_wait3A_312 : memref<1x64x64xf32, #tpu.memory_space<vmem>> -> memref<64x64xf32, #tpu.memory_space<vmem>>
      tpu.wait_dma2 semaphore(%run_scoped3A_281 : memref<!tpu.dma_semaphore, #tpu.memory_space<semaphore_mem>>) src(%dma_wait3A_313 : memref<64x64xf32, #tpu.memory_space<vmem>>) dst(%dma_wait3A_309 : memref<64x64xf32, #tpu.memory_space<hbm>>)
      tpu.yield
    }) : () -> ()
    %dma_start3A_254 = arith.constant 1 : i32
    %dma_start3A_255 = arith.constant 1 : i32
    %dma_start3A_256 = arith.constant 0 : i32
    %dma_start3A_257 = arith.constant 0 : i32
    %dma_start3A_258 = tpu.memref_slice %arg7[%dma_start3A_254, %dma_start3A_256, %dma_start3A_257] : memref<2x64x64xf32, #tpu.memory_space<vmem>> -> memref<1x64x64xf32, #tpu.memory_space<vmem>>
    %dma_start3A_259 = tpu.memref_squeeze %dma_start3A_258 : memref<1x64x64xf32, #tpu.memory_space<vmem>> -> memref<64x64xf32, #tpu.memory_space<vmem>>
    %dma_start3A_260 = arith.constant 64 : i32
    %dma_start3A_261 = tpu.memref_slice %arg6[%dma_start3A_260] : memref<128xi32, #tpu.memory_space<vmem>> -> memref<64xi32, #tpu.memory_space<vmem>>
    %dma_start3A_262 = arith.constant 0 : i32
    %dma_start3A_263 = arith.constant 0 : i32
    %dma_start3A_264 = tpu.memref_slice %arg2[%dma_start3A_262, %dma_start3A_263] : memref<106496x64xf32, #tpu.memory_space<hbm>> -> memref<106496x64xf32, #tpu.memory_space<hbm>>
    %dma_start3A_265 = tpu.memref_slice %arg8[%dma_start3A_255] : memref<2x!tpu.dma_semaphore, #tpu.memory_space<semaphore_mem>> -> memref<1x!tpu.dma_semaphore, #tpu.memory_space<semaphore_mem>>
    %dma_start3A_266 = tpu.memref_squeeze %dma_start3A_265 : memref<1x!tpu.dma_semaphore, #tpu.memory_space<semaphore_mem>> -> memref<!tpu.dma_semaphore, #tpu.memory_space<semaphore_mem>>
    tpu.enqueue_indirect_dma source(%dma_start3A_264 : memref<106496x64xf32, #tpu.memory_space<hbm>>) target(%dma_start3A_259 : memref<64x64xf32, #tpu.memory_space<vmem>>) offsets(%dma_start3A_261 : memref<64xi32, #tpu.memory_space<vmem>>) semaphore(%dma_start3A_266 : memref<!tpu.dma_semaphore, #tpu.memory_space<semaphore_mem>>)
    %dma_wait3A_267 = arith.constant 1 : i32
    %dma_wait3A_268 = arith.constant 1 : i32
    %dma_wait3A_269 = arith.constant 0 : i32
    %dma_wait3A_270 = arith.constant 0 : i32
    %dma_wait3A_271 = tpu.memref_slice %arg7[%dma_wait3A_267, %dma_wait3A_269, %dma_wait3A_270] : memref<2x64x64xf32, #tpu.memory_space<vmem>> -> memref<1x64x64xf32, #tpu.memory_space<vmem>>
    %dma_wait3A_272 = tpu.memref_squeeze %dma_wait3A_271 : memref<1x64x64xf32, #tpu.memory_space<vmem>> -> memref<64x64xf32, #tpu.memory_space<vmem>>
    %dma_wait3A_273 = arith.constant 64 : i32
    %dma_wait3A_274 = tpu.memref_slice %arg6[%dma_wait3A_273] : memref<128xi32, #tpu.memory_space<vmem>> -> memref<64xi32, #tpu.memory_space<vmem>>
    %dma_wait3A_275 = arith.constant 0 : i32
    %dma_wait3A_276 = arith.constant 0 : i32
    %dma_wait3A_277 = tpu.memref_slice %arg2[%dma_wait3A_275, %dma_wait3A_276] : memref<106496x64xf32, #tpu.memory_space<hbm>> -> memref<106496x64xf32, #tpu.memory_space<hbm>>
    %dma_wait3A_278 = tpu.memref_slice %arg8[%dma_wait3A_268] : memref<2x!tpu.dma_semaphore, #tpu.memory_space<semaphore_mem>> -> memref<1x!tpu.dma_semaphore, #tpu.memory_space<semaphore_mem>>
    %dma_wait3A_279 = tpu.memref_squeeze %dma_wait3A_278 : memref<1x!tpu.dma_semaphore, #tpu.memory_space<semaphore_mem>> -> memref<!tpu.dma_semaphore, #tpu.memory_space<semaphore_mem>>
    tpu.wait_indirect_dma semaphore(%dma_wait3A_279 : memref<!tpu.dma_semaphore, #tpu.memory_space<semaphore_mem>>) src(%dma_wait3A_277 : memref<106496x64xf32, #tpu.memory_space<hbm>>) dst(%dma_wait3A_272 : memref<64x64xf32, #tpu.memory_space<vmem>>)
    %run_scoped3A_280 = arith.constant 1 : i32
    "tpu.region"() ({
      %run_scoped3A_281 = tpu.sem_alloc : memref<!tpu.dma_semaphore, #tpu.memory_space<semaphore_mem>>
      %dma_start3A_282 = arith.constant 0 : i32
      %dma_start3A_283 = arith.constant 0 : i32
      %dma_start3A_284 = tpu.memref_slice %arg7[%run_scoped3A_280, %dma_start3A_282, %dma_start3A_283] : memref<2x64x64xf32, #tpu.memory_space<vmem>> -> memref<1x64x64xf32, #tpu.memory_space<vmem>>
      %dma_start3A_285 = tpu.memref_squeeze %dma_start3A_284 : memref<1x64x64xf32, #tpu.memory_space<vmem>> -> memref<64x64xf32, #tpu.memory_space<vmem>>
      %dma_start3A_286 = arith.constant 0 : i32
      %dma_start3A_287 = arith.constant 64 : i32
      %dma_start3A_288 = tpu.memref_slice %arg4[%add3A, %dma_start3A_286, %dma_start3A_287] : memref<32x64x128xf32, #tpu.memory_space<hbm>> -> memref<1x64x64xf32, #tpu.memory_space<hbm>>
      %dma_start3A_289 = tpu.memref_squeeze %dma_start3A_288 : memref<1x64x64xf32, #tpu.memory_space<hbm>> -> memref<64x64xf32, #tpu.memory_space<hbm>>
      %dma_start3A_290 = arith.constant 0 : i32
      %dma_start3A_291 = arith.constant 64 : i32
      %dma_start3A_292 = tpu.memref_slice %arg4[%add3A, %dma_start3A_290, %dma_start3A_291] : memref<32x64x128xf32, #tpu.memory_space<hbm>> -> memref<1x64x64xf32, #tpu.memory_space<hbm>>
      %dma_start3A_293 = tpu.memref_squeeze %dma_start3A_292 : memref<1x64x64xf32, #tpu.memory_space<hbm>> -> memref<64x64xf32, #tpu.memory_space<hbm>>
      %dma_start3A_294 = arith.constant 0 : i32
      %dma_start3A_295 = arith.constant 0 : i32
      %dma_start3A_296 = tpu.memref_slice %arg7[%run_scoped3A_280, %dma_start3A_294, %dma_start3A_295] : memref<2x64x64xf32, #tpu.memory_space<vmem>> -> memref<1x64x64xf32, #tpu.memory_space<vmem>>
      %dma_start3A_297 = tpu.memref_squeeze %dma_start3A_296 : memref<1x64x64xf32, #tpu.memory_space<vmem>> -> memref<64x64xf32, #tpu.memory_space<vmem>>
      tpu.enqueue_dma source(%dma_start3A_297 : memref<64x64xf32, #tpu.memory_space<vmem>>) target(%dma_start3A_293 : memref<64x64xf32, #tpu.memory_space<hbm>>) target_semaphore(%run_scoped3A_281 : memref<!tpu.dma_semaphore, #tpu.memory_space<semaphore_mem>>)
      %dma_wait3A_298 = arith.constant 0 : i32
      %dma_wait3A_299 = arith.constant 0 : i32
      %dma_wait3A_300 = tpu.memref_slice %arg7[%run_scoped3A_280, %dma_wait3A_298, %dma_wait3A_299] : memref<2x64x64xf32, #tpu.memory_space<vmem>> -> memref<1x64x64xf32, #tpu.memory_space<vmem>>
      %dma_wait3A_301 = tpu.memref_squeeze %dma_wait3A_300 : memref<1x64x64xf32, #tpu.memory_space<vmem>> -> memref<64x64xf32, #tpu.memory_space<vmem>>
      %dma_wait3A_302 = arith.constant 0 : i32
      %dma_wait3A_303 = arith.constant 64 : i32
      %dma_wait3A_304 = tpu.memref_slice %arg4[%add3A, %dma_wait3A_302, %dma_wait3A_303] : memref<32x64x128xf32, #tpu.memory_space<hbm>> -> memref<1x64x64xf32, #tpu.memory_space<hbm>>
      %dma_wait3A_305 = tpu.memref_squeeze %dma_wait3A_304 : memref<1x64x64xf32, #tpu.memory_space<hbm>> -> memref<64x64xf32, #tpu.memory_space<hbm>>
      %dma_wait3A_306 = arith.constant 0 : i32
      %dma_wait3A_307 = arith.constant 64 : i32
      %dma_wait3A_308 = tpu.memref_slice %arg4[%add3A, %dma_wait3A_306, %dma_wait3A_307] : memref<32x64x128xf32, #tpu.memory_space<hbm>> -> memref<1x64x64xf32, #tpu.memory_space<hbm>>
      %dma_wait3A_309 = tpu.memref_squeeze %dma_wait3A_308 : memref<1x64x64xf32, #tpu.memory_space<hbm>> -> memref<64x64xf32, #tpu.memory_space<hbm>>
      %dma_wait3A_310 = arith.constant 0 : i32
      %dma_wait3A_311 = arith.constant 0 : i32
      %dma_wait3A_312 = tpu.memref_slice %arg7[%run_scoped3A_280, %dma_wait3A_310, %dma_wait3A_311] : memref<2x64x64xf32, #tpu.memory_space<vmem>> -> memref<1x64x64xf32, #tpu.memory_space<vmem>>
      %dma_wait3A_313 = tpu.memref_squeeze %dma_wait3A_312 : memref<1x64x64xf32, #tpu.memory_space<vmem>> -> memref<64x64xf32, #tpu.memory_space<vmem>>
      tpu.wait_dma2 semaphore(%run_scoped3A_281 : memref<!tpu.dma_semaphore, #tpu.memory_space<semaphore_mem>>) src(%dma_wait3A_313 : memref<64x64xf32, #tpu.memory_space<vmem>>) dst(%dma_wait3A_309 : memref<64x64xf32, #tpu.memory_space<hbm>>)
      tpu.yield
    }) : () -> ()
    return
  }
}

module attributes {stable_mosaic.version = 14 : i64} {
  func.func @body(%arg0: i32, %arg1: memref<64x8192xf32, #tpu.memory_space<vmem>>, %arg2: memref<4096x128xf32, #tpu.memory_space<vmem>>) attributes {dimension_semantics = [#tpu.dimension_semantics<arbitrary>], iteration_bounds = array<i64: 13>, scalar_prefetch = 0 : i64, scratch_operands = 0 : i64, tpu.core_type = #tpu.core_type<tc>, window_params = [{transform_indices = @transform_0, window_bounds = array<i64: 64, 8192>}, {transform_indices = @transform_1, window_bounds = array<i64: 4096, 128>}]} {
    %get3A = arith.constant 0 : index
    %get3A_0 = arith.constant 0 : index
    %get3A_1 = vector.load %arg1[%get3A, %get3A_0] : memref<64x8192xf32, #tpu.memory_space<vmem>>, vector<64x8192xf32>
    %transpose3A = tpu.transpose %get3A_1, [1, 0] : vector<64x8192xf32> -> vector<8192x64xf32>
    %slice3A = vector.extract_strided_slice %transpose3A {offsets = [0, 0], sizes = [4096, 64], strides = [1, 1]} : vector<8192x64xf32> to vector<4096x64xf32>
    %slice3A_2 = vector.extract_strided_slice %transpose3A {offsets = [4096, 0], sizes = [4096, 64], strides = [1, 1]} : vector<8192x64xf32> to vector<4096x64xf32>
    %concatenate3A = tpu.concatenate %slice3A, %slice3A_2 in 1 : vector<4096x64xf32>, vector<4096x64xf32> -> vector<4096x128xf32>
    %swap3A = arith.constant 0 : index
    %swap3A_3 = arith.constant 0 : index
    %swap3A_4 = vector.load %arg2[%swap3A, %swap3A_3] : memref<4096x128xf32, #tpu.memory_space<vmem>>, vector<4096x128xf32>
    tpu.vector_store %arg2[%swap3A, %swap3A_3], %concatenate3A {strides = array<i32>} : memref<4096x128xf32, #tpu.memory_space<vmem>>, vector<4096x128xf32>,
    return
  }
  func.func @transform_0(%arg0: i32) -> (i32, i32) {
    %c0_i32 = arith.constant 0 : i32
    %c0_i32_0 = arith.constant 0 : i32
    return %c0_i32, %arg0 : i32, i32
  }
  func.func @transform_1(%arg0: i32) -> (i32, i32) {
    %c0_i32 = arith.constant 0 : i32
    %c0_i32_0 = arith.constant 0 : i32
    return %arg0, %c0_i32 : i32, i32
  }
}

module attributes {stable_mosaic.version = 14 : i64} {
  func.func @body(%arg0: i32, %arg1: memref<1x64x128xf32, #tpu.memory_space<vmem>>, %arg2: memref<1x70x64x128xf32, #tpu.memory_space<vmem>>, %arg3: memref<1x64x2xf32, #tpu.memory_space<vmem>>, %arg4: memref<1x64x2xf32, #tpu.memory_space<vmem>>, %arg5: memref<70x64xf32, #tpu.memory_space<vmem>>, %arg6: memref<70x64xf32, #tpu.memory_space<vmem>>) attributes {dimension_semantics = [#tpu.dimension_semantics<arbitrary>], iteration_bounds = array<i64: 32>, scalar_prefetch = 0 : i64, scratch_operands = 2 : i64, tpu.core_type = #tpu.core_type<tc>, window_params = [{transform_indices = @transform_0, window_bounds = array<i64: 1, 64, 128>}, {transform_indices = @transform_1, window_bounds = array<i64: 1, 70, 64, 128>}, {transform_indices = @transform_2, window_bounds = array<i64: 1, 64, 2>}, {transform_indices = @transform_3, window_bounds = array<i64: 1, 64, 2>}]} {
    %get3A = arith.constant 0 : index
    %get3A_0 = arith.constant 0 : index
    %get3A_1 = arith.constant 0 : index
    %get3A_2 = vector.load %arg1[%get3A, %get3A_0, %get3A_1] : memref<1x64x128xf32, #tpu.memory_space<vmem>>, vector<1x64x128xf32>
    %get3A_3 = vector.shape_cast %get3A_2 : vector<1x64x128xf32> to vector<64x128xf32>
    %get3A_4 = arith.constant 0 : index
    %get3A_5 = arith.constant 0 : index
    %get3A_6 = arith.constant 0 : index
    %get3A_7 = arith.constant 0 : index
    %get3A_8 = vector.load %arg2[%get3A_4, %get3A_5, %get3A_6, %get3A_7] : memref<1x70x64x128xf32, #tpu.memory_space<vmem>>, vector<1x70x64x128xf32>
    %get3A_9 = vector.shape_cast %get3A_8 : vector<1x70x64x128xf32> to vector<70x64x128xf32>
    %broadcast_in_dim3A = vector.shape_cast %get3A_3 : vector<64x128xf32> to vector<1x64x128xf32>
    %mul3A = vector.broadcast %broadcast_in_dim3A : vector<1x64x128xf32> to vector<70x64x128xf32>
    %mul3A_10 = arith.mulf %get3A_9, %mul3A : vector<70x64x128xf32>
    %slice3A = vector.extract_strided_slice %mul3A_10 {offsets = [0, 0, 0], sizes = [70, 64, 64], strides = [1, 1, 1]} : vector<70x64x128xf32> to vector<70x64x64xf32>
    %reduce_sum3A = arith.constant dense<0.000000e+00> : vector<70x64xf32>
    %reduce_sum3A_11 = vector.multi_reduction <add>, %slice3A, %reduce_sum3A [2] : vector<70x64x64xf32> to vector<70x64xf32>
    %swap3A = arith.constant 0 : index
    %swap3A_12 = arith.constant 0 : index
    %swap3A_13 = vector.load %arg5[%swap3A, %swap3A_12] : memref<70x64xf32, #tpu.memory_space<vmem>>, vector<70x64xf32>
    tpu.vector_store %arg5[%swap3A, %swap3A_12], %reduce_sum3A_11 {strides = array<i32>} : memref<70x64xf32, #tpu.memory_space<vmem>>, vector<70x64xf32>,
    %slice3A_14 = vector.extract_strided_slice %mul3A_10 {offsets = [0, 0, 64], sizes = [70, 64, 64], strides = [1, 1, 1]} : vector<70x64x128xf32> to vector<70x64x64xf32>
    %reduce_sum3A_15 = arith.constant dense<0.000000e+00> : vector<70x64xf32>
    %reduce_sum3A_16 = vector.multi_reduction <add>, %slice3A_14, %reduce_sum3A_15 [2] : vector<70x64x64xf32> to vector<70x64xf32>
    %swap3A_17 = arith.constant 0 : index
    %swap3A_18 = arith.constant 0 : index
    %swap3A_19 = vector.load %arg6[%swap3A_17, %swap3A_18] : memref<70x64xf32, #tpu.memory_space<vmem>>, vector<70x64xf32>
    tpu.vector_store %arg6[%swap3A_17, %swap3A_18], %reduce_sum3A_16 {strides = array<i32>} : memref<70x64xf32, #tpu.memory_space<vmem>>, vector<70x64xf32>,
    %get3A_20 = arith.constant 0 : index
    %get3A_21 = arith.constant 0 : index
    %get3A_22 = vector.load %arg5[%get3A_20, %get3A_21] : memref<70x64xf32, #tpu.memory_space<vmem>>, vector<70x64xf32>
    %get3A_23 = arith.constant 0 : index
    %get3A_24 = arith.constant 0 : index
    %get3A_25 = vector.load %arg6[%get3A_23, %get3A_24] : memref<70x64xf32, #tpu.memory_space<vmem>>, vector<70x64xf32>
    %iota3A = tpu.iota {dimensions = array<i32: 0>} : vector<70x64xi32>
    %lt3A = arith.constant 20 : i32
    %lt3A_26 = vector.broadcast %lt3A : i32 to vector<70x64xi32>
    %lt3A_27 = arith.cmpi slt, %iota3A, %lt3A_26 : vector<70x64xi32>
    %jit3A = arith.constant 1.000000e+00 : f32
    %jit3A_28 = arith.constant -1.000000e+00 : f32
    %broadcast_in_dim3A_29 = vector.broadcast %jit3A : f32 to vector<70x64xf32>
    %broadcast_in_dim3A_30 = vector.broadcast %jit3A_28 : f32 to vector<70x64xf32>
    %select_n3A = arith.select %lt3A_27, %broadcast_in_dim3A_29, %broadcast_in_dim3A_30 : vector<70x64xi1>, vector<70x64xf32>
    %mul3A_31 = arith.mulf %get3A_22, %select_n3A : vector<70x64xf32>
    %min3A = arith.constant 0.000000e+00 : f32
    %min3A_32 = vector.broadcast %min3A : f32 to vector<70x64xf32>
    %min3A_33 = arith.minimumf %mul3A_31, %min3A_32 : vector<70x64xf32>
    %abs3A = math.absf %mul3A_31 : vector<70x64xf32>
    %neg3A = arith.constant 0.000000e+00 : f32
    %neg3A_34 = vector.broadcast %neg3A : f32 to vector<70x64xf32>
    %neg3A_35 = arith.subf %neg3A_34, %abs3A : vector<70x64xf32>
    %exp3A = math.exp %neg3A_35 : vector<70x64xf32>
    %log1p3A = math.log1p %exp3A : vector<70x64xf32>
    %sub3A = arith.subf %min3A_33, %log1p3A : vector<70x64xf32>
    %mul3A_36 = arith.mulf %get3A_25, %select_n3A : vector<70x64xf32>
    %min3A_37 = arith.constant 0.000000e+00 : f32
    %min3A_38 = vector.broadcast %min3A_37 : f32 to vector<70x64xf32>
    %min3A_39 = arith.minimumf %mul3A_36, %min3A_38 : vector<70x64xf32>
    %abs3A_40 = math.absf %mul3A_36 : vector<70x64xf32>
    %neg3A_41 = arith.constant 0.000000e+00 : f32
    %neg3A_42 = vector.broadcast %neg3A_41 : f32 to vector<70x64xf32>
    %neg3A_43 = arith.subf %neg3A_42, %abs3A_40 : vector<70x64xf32>
    %exp3A_44 = math.exp %neg3A_43 : vector<70x64xf32>
    %log1p3A_45 = math.log1p %exp3A_44 : vector<70x64xf32>
    %sub3A_46 = arith.subf %min3A_39, %log1p3A_45 : vector<70x64xf32>
    %jit3A_47 = arith.constant 0.000000e+00 : f32
    %broadcast_in_dim3A_48 = vector.broadcast %jit3A_47 : f32 to vector<70x64xf32>
    %select_n3A_49 = arith.select %lt3A_27, %sub3A, %broadcast_in_dim3A_48 : vector<70x64xi1>, vector<70x64xf32>
    %reduce_sum3A_50 = arith.constant dense<0.000000e+00> : vector<64xf32>
    %reduce_sum3A_51 = vector.multi_reduction <add>, %select_n3A_49, %reduce_sum3A_50 [0] : vector<70x64xf32> to vector<64xf32>
    %jit3A_52 = arith.constant 0.000000e+00 : f32
    %broadcast_in_dim3A_53 = vector.broadcast %jit3A_52 : f32 to vector<70x64xf32>
    %select_n3A_54 = arith.select %lt3A_27, %sub3A_46, %broadcast_in_dim3A_53 : vector<70x64xi1>, vector<70x64xf32>
    %reduce_sum3A_55 = arith.constant dense<0.000000e+00> : vector<64xf32>
    %reduce_sum3A_56 = vector.multi_reduction <add>, %select_n3A_54, %reduce_sum3A_55 [0] : vector<70x64xf32> to vector<64xf32>
    %jit3A_57 = arith.constant 0.000000e+00 : f32
    %broadcast_in_dim3A_58 = vector.broadcast %jit3A_57 : f32 to vector<70x64xf32>
    %select_n3A_59 = arith.select %lt3A_27, %broadcast_in_dim3A_58, %sub3A : vector<70x64xi1>, vector<70x64xf32>
    %reduce_sum3A_60 = arith.constant dense<0.000000e+00> : vector<64xf32>
    %reduce_sum3A_61 = vector.multi_reduction <add>, %select_n3A_59, %reduce_sum3A_60 [0] : vector<70x64xf32> to vector<64xf32>
    %jit3A_62 = arith.constant 0.000000e+00 : f32
    %broadcast_in_dim3A_63 = vector.broadcast %jit3A_62 : f32 to vector<70x64xf32>
    %select_n3A_64 = arith.select %lt3A_27, %broadcast_in_dim3A_63, %sub3A_46 : vector<70x64xi1>, vector<70x64xf32>
    %reduce_sum3A_65 = arith.constant dense<0.000000e+00> : vector<64xf32>
    %reduce_sum3A_66 = vector.multi_reduction <add>, %select_n3A_64, %reduce_sum3A_65 [0] : vector<70x64xf32> to vector<64xf32>
    %stack3A = vector.shape_cast %reduce_sum3A_51 : vector<64xf32> to vector<64x1xf32>
    %stack3A_67 = vector.shape_cast %reduce_sum3A_56 : vector<64xf32> to vector<64x1xf32>
    %stack3A_68 = tpu.concatenate %stack3A, %stack3A_67 in 1 : vector<64x1xf32>, vector<64x1xf32> -> vector<64x2xf32>
    %broadcast_in_dim3A_69 = vector.shape_cast %stack3A_68 : vector<64x2xf32> to vector<1x64x2xf32>
    %swap3A_70 = arith.constant 0 : index
    %swap3A_71 = arith.constant 0 : index
    %swap3A_72 = arith.constant 0 : index
    %swap3A_73 = vector.load %arg3[%swap3A_70, %swap3A_71, %swap3A_72] : memref<1x64x2xf32, #tpu.memory_space<vmem>>, vector<1x64x2xf32>
    tpu.vector_store %arg3[%swap3A_70, %swap3A_71, %swap3A_72], %broadcast_in_dim3A_69 {strides = array<i32>} : memref<1x64x2xf32, #tpu.memory_space<vmem>>, vector<1x64x2xf32>,
    %stack3A_74 = vector.shape_cast %reduce_sum3A_61 : vector<64xf32> to vector<64x1xf32>
    %stack3A_75 = vector.shape_cast %reduce_sum3A_66 : vector<64xf32> to vector<64x1xf32>
    %stack3A_76 = tpu.concatenate %stack3A_74, %stack3A_75 in 1 : vector<64x1xf32>, vector<64x1xf32> -> vector<64x2xf32>
    %broadcast_in_dim3A_77 = vector.shape_cast %stack3A_76 : vector<64x2xf32> to vector<1x64x2xf32>
    %swap3A_78 = arith.constant 0 : index
    %swap3A_79 = arith.constant 0 : index
    %swap3A_80 = arith.constant 0 : index
    %swap3A_81 = vector.load %arg4[%swap3A_78, %swap3A_79, %swap3A_80] : memref<1x64x2xf32, #tpu.memory_space<vmem>>, vector<1x64x2xf32>
    tpu.vector_store %arg4[%swap3A_78, %swap3A_79, %swap3A_80], %broadcast_in_dim3A_77 {strides = array<i32>} : memref<1x64x2xf32, #tpu.memory_space<vmem>>, vector<1x64x2xf32>,
    return
  }
  func.func @transform_0(%arg0: i32) -> (i32, i32, i32) {
    %c0_i32 = arith.constant 0 : i32
    %c0_i32_0 = arith.constant 0 : i32
    %c0_i32_1 = arith.constant 0 : i32
    return %arg0, %c0_i32, %c0_i32_0 : i32, i32, i32
  }
  func.func @transform_1(%arg0: i32) -> (i32, i32, i32, i32) {
    %c0_i32 = arith.constant 0 : i32
    %c0_i32_0 = arith.constant 0 : i32
    %c0_i32_1 = arith.constant 0 : i32
    %c0_i32_2 = arith.constant 0 : i32
    return %arg0, %c0_i32, %c0_i32_0, %c0_i32_1 : i32, i32, i32, i32
  }
  func.func @transform_2(%arg0: i32) -> (i32, i32, i32) {
    %c0_i32 = arith.constant 0 : i32
    %c0_i32_0 = arith.constant 0 : i32
    %c0_i32_1 = arith.constant 0 : i32
    return %arg0, %c0_i32, %c0_i32_0 : i32, i32, i32
  }
  func.func @transform_3(%arg0: i32) -> (i32, i32, i32) {
    %c0_i32 = arith.constant 0 : i32
    %c0_i32_0 = arith.constant 0 : i32
    %c0_i32_1 = arith.constant 0 : i32
    return %arg0, %c0_i32, %c0_i32_0 : i32, i32, i32
  }
}

module attributes {stable_mosaic.version = 14 : i64} {
  func.func @body(%arg0: i32, %arg1: memref<1x4096xf32, #tpu.memory_space<vmem>>, %arg2: memref<256x1xf32, #tpu.memory_space<vmem>>, %arg3: memref<256x4096xf32, #tpu.memory_space<vmem>>) attributes {dimension_semantics = [#tpu.dimension_semantics<arbitrary>], iteration_bounds = array<i64: 16>, scalar_prefetch = 0 : i64, scratch_operands = 0 : i64, tpu.core_type = #tpu.core_type<tc>, window_params = [{pipeline_mode = #tpu.pipeline_mode<synchronous>, transform_indices = @transform_0, window_bounds = array<i64: 1, 4096>}, {transform_indices = @transform_1, window_bounds = array<i64: 256, 1>}, {transform_indices = @transform_2, window_bounds = array<i64: 256, 4096>}]} {
    %get3A = arith.constant 0 : index
    %get3A_0 = arith.constant 0 : index
    %get3A_1 = vector.load %arg1[%get3A, %get3A_0] : memref<1x4096xf32, #tpu.memory_space<vmem>>, vector<1x4096xf32>
    %get3A_2 = arith.constant 0 : index
    %get3A_3 = arith.constant 0 : index
    %get3A_4 = vector.load %arg2[%get3A_2, %get3A_3] : memref<256x1xf32, #tpu.memory_space<vmem>>, vector<256x1xf32>
    %add3A = vector.broadcast %get3A_1 : vector<1x4096xf32> to vector<256x4096xf32>
    %add3A_5 = vector.broadcast %get3A_4 : vector<256x1xf32> to vector<256x4096xf32>
    %add3A_6 = arith.addf %add3A, %add3A_5 : vector<256x4096xf32>
    %neg3A = arith.constant 0.000000e+00 : f32
    %neg3A_7 = vector.broadcast %neg3A : f32 to vector<256x4096xf32>
    %neg3A_8 = arith.subf %neg3A_7, %add3A_6 : vector<256x4096xf32>
    %swap3A = arith.constant 0 : index
    %swap3A_9 = arith.constant 0 : index
    %swap3A_10 = vector.load %arg3[%swap3A, %swap3A_9] : memref<256x4096xf32, #tpu.memory_space<vmem>>, vector<256x4096xf32>
    tpu.vector_store %arg3[%swap3A, %swap3A_9], %neg3A_8 {strides = array<i32>} : memref<256x4096xf32, #tpu.memory_space<vmem>>, vector<256x4096xf32>,
    return
  }
  func.func @transform_0(%arg0: i32) -> (i32, i32) {
    %c0_i32 = arith.constant 0 : i32
    %c0_i32_0 = arith.constant 0 : i32
    %c0_i32_1 = arith.constant 0 : i32
    return %c0_i32, %c0_i32_0 : i32, i32
  }
  func.func @transform_1(%arg0: i32) -> (i32, i32) {
    %c0_i32 = arith.constant 0 : i32
    %c0_i32_0 = arith.constant 0 : i32
    return %arg0, %c0_i32 : i32, i32
  }
  func.func @transform_2(%arg0: i32) -> (i32, i32) {
    %c0_i32 = arith.constant 0 : i32
    %c0_i32_0 = arith.constant 0 : i32
    return %arg0, %c0_i32 : i32, i32
  }
}

</mosaic_0001>

<sc_bundles>
// kernel: kernel.11.cloned.1.call-start
scs
__scs_entry_jumppad:
0x0: {  	(pc) =	sbr.rel $0x88, $3  }
0x1: {  	(tag) =	ssettag $0x0;
	lr =	simm.s32 $0x1  }
0x2: {  	[smem:$0x3F9C] =	sst lr;
	_ =	strace $0xD0000000  }
0x3: {  	_ = 	snop  }
0x4: {  	_ = 	snop  }
0x5: {  	_ = 	snop  }
0x6: {  	_ = 	snop  }
0x7: {  	_ = 	snop  }
__scs_overlays_trampoline_lowered:
0x8: {  	[smem:$0x3FAB] =	sst s0  }
0x9: {  	[smem:$0x3FAC] =	sst s1  }
0xa: {  	[smem:$0x3FAD] =	sst s2  }
0xb: {  	[smem:$0x3FAE] =	sst s3  }
0xc: {  	[smem:$0x3FAF] =	sst s4  }
0xd: {  	[smem:$0x3FB0] =	sst s5  }
0xe: {  	[smem:$0x3FB1] =	sst s6  }
0xf: {  	[smem:$0x3FB2] =	sst s7  }
0x10: {  	[smem:$0x3FB3] =	sst s8  }
0x11: {  	[smem:$0x3FB4] =	sst s9;
	s0 =	simm.s32 @!p0 $0x0  }
0x12: {  	s1 =	sld [smem:$0x3F9A];
	s0 =	simm.s32 @p0 $0x1  }
0x13: {  	[smem:$0x3FB5] =	sst s0;
	s0 =	simm.s32 @!p1 $0x0  }
0x14: {  	s2 =	sld [smem:$0x3F99];
	s0 =	simm.s32 @p1 $0x1  }
0x15: {  	[smem:$0x3FB6] =	sst s0;
	s0 =	simm.s32 @!p2 $0x0  }
0x16: {  	s3 =	sld [smem:$0x3FDB];
	s0 =	simm.s32 @p2 $0x1  }
0x17: {  	s4 =	simm.s32 $0x1BF5;
	[smem:$0x3FB8] =	sst s0  }
0x18: {  	s0 =	sld [smem:$0x3F9B];
	_ =	swait.ge [sflag:s4], $0x0  }
0x19: {  	s7 =	sld [smem:$0x3F9C]  }
0x1a: {  	s8 =	sadd.s32 $0xFFFFE003, lr  }
0x1b: {  	s9 =	sadd.s32 $0xFFFFFEF7, lr;
	s5 =	simm.s32 $0xFFFFFFFF;
	p2 =	slt.u32 s8, $0xFFFFF086  }
0x1c: {  	p1 =	slt.u32 s9, $0xF7A;
	s5 =	simm.s32 @!p2 $0x0  }
0x1d: {  	s5 =	simm.s32 @p1 $0x1;
	p0 =	seq.s32 s7, s2  }
0x1e: {  	s7 =	smul.u32 @!p0 $0xF7A, s2;
	p2 =	seq.s32 @!p0 s5, $0x0  }
0x1f: {  	s9 =	smul.u32 $0xF7A, s1;
	s8 =	simm.s32 @!p0 $0x1BF5;
	p2 =	por !p2, p0  }
0x20: {  	[sflag:s8] =	ssyncset.s32 @!p0 $0xFFFFF086;
	s6 =	sadd.s32 @!p0 s3, s7;
	s7 =	simm.s32 @!p0 $0x108  }
0x21: {  	s3 =	sadd.s32 s3, s9;
	s6 =	sadd.s32 @!p0 $0x88, s6;
	s7 =	simm.s32 @p2 $0x1082  }
0x22: {  	[simem:s7], [sflag:s8] =	dma.local @!p0 [hbm:s6], $0xF7A  }
0x23: {  	s9 =	sor.u32 $0xD0000000, s2;
	s6 =	simm.s32 $0x108;
	_ =	swait.ge @!p0 [sflag:s8], $0x0  }
0x24: {  	s3 =	sadd.s32 $0x88, s3;
	s6 =	simm.s32 @!p1 $0x1082;
	[sflag:s4] =	ssyncset.s32 $0xFFFFF086  }
0x25: {  	[simem:s6], [sflag:s4] =	dma.local [hbm:s3], $0xF7A  }
0x26: {  	[smem:$0x3F9C] =	sst s1;
	(tag) =	ssettag s2;
	_ =	strace s9  }
0x27: {  	s1 =	sld [smem:$0x3FAC]  }
0x28: {  	s2 =	sld [smem:$0x3FAD]  }
0x29: {  	s4 =	sld [smem:$0x3FAF]  }
0x2a: {  	p0 =	seq.s32 s5, $0x0;
	s5 =	sld [smem:$0x3FB0]  }
0x2b: {  	s6 =	sld [smem:$0x3FB1]  }
0x2c: {  	s7 =	sld [smem:$0x3FB2]  }
0x2d: {  	s3 =	simm.s32 $0x108;
	s8 =	sld [smem:$0x3FB3]  }
0x2e: {  	s3 =	simm.s32 @!p0 $0x1082;
	s9 =	sld [smem:$0x3FB4]  }
0x2f: {  	lr =	sadd.s32 s0, s3;
	s0 =	sld [smem:$0x3FAB]  }
0x30: {  	s3 =	sld [smem:$0x3FAE]  }
0x31: {  	[smem:$0x3FB7] =	sst s10  }
0x32: {  	s10 =	sld [smem:$0x3FB5];
	_ =	sdelay $0x3  }
0x33: {  	p0 =	seq.s32 s10, $0x1;
	s10 =	sld [smem:$0x3FB7];
	_ =	sdelay $0x3  }
0x34: {  	[smem:$0x3FB7] =	sst s10  }
0x35: {  	s10 =	sld [smem:$0x3FB6];
	_ =	sdelay $0x3  }
0x36: {  	p1 =	seq.s32 s10, $0x1;
	s10 =	sld [smem:$0x3FB7];
	_ =	sdelay $0x3  }
0x37: {  	[smem:$0x3FB7] =	sst s10  }
0x38: {  	s10 =	sld [smem:$0x3FB8]  }
0x39: {  	_ = 	snop;
	(pc) =	sbr.ind lr, $3  }
0x3a: {  	_ = 	snop  }
0x3b: {  	_ = 	snop  }
0x3c: {  	p2 =	seq.s32 s10, $0x1;
	s10 =	sld [smem:$0x3FB7]  }
0x3d: {  	_ =	shalt  }
0x3e: {  	_ =	shalt  }
0x3f: {  	_ =	shalt  }
0x40: {  	_ =	shalt  }
0x41: {  	_ =	shalt  }
0x42: {  	_ =	shalt  }
0x43: {  	_ =	shalt  }
0x44: {  	_ =	shalt  }
0x45: {  	_ =	shalt  }
0x46: {  	_ =	shalt  }
0x47: {  	_ =	shalt  }
0x48: {  	_ =	shalt  }
0x49: {  	_ =	shalt  }
0x4a: {  	_ =	shalt  }
0x4b: {  	_ =	shalt  }
0x4c: {  	_ =	shalt  }
0x4d: {  	_ =	shalt  }
0x4e: {  	_ =	shalt  }
0x4f: {  	_ =	shalt  }
0x50: {  	_ =	shalt  }
0x51: {  	_ =	shalt  }
0x52: {  	_ =	shalt  }
0x53: {  	_ =	shalt  }
0x54: {  	_ =	shalt  }
0x55: {  	_ =	shalt  }
0x56: {  	_ =	shalt  }
0x57: {  	_ =	shalt  }
0x58: {  	_ =	shalt  }
0x59: {  	_ =	shalt  }
0x5a: {  	_ =	shalt  }
0x5b: {  	_ =	shalt  }
0x5c: {  	_ =	shalt  }
0x5d: {  	_ =	shalt  }
0x5e: {  	_ =	shalt  }
0x5f: {  	_ =	shalt  }
0x60: {  	_ =	shalt  }
0x61: {  	_ =	shalt  }
0x62: {  	_ =	shalt  }
0x63: {  	_ =	shalt  }
0x64: {  	_ =	shalt  }
0x65: {  	_ =	shalt  }
0x66: {  	_ =	shalt  }
0x67: {  	_ =	shalt  }
0x68: {  	_ =	shalt  }
0x69: {  	_ =	shalt  }
0x6a: {  	_ =	shalt  }
0x6b: {  	_ =	shalt  }
0x6c: {  	_ =	shalt  }
0x6d: {  	_ =	shalt  }
0x6e: {  	_ =	shalt  }
0x6f: {  	_ =	shalt  }
0x70: {  	_ =	shalt  }
0x71: {  	_ =	shalt  }
0x72: {  	_ =	shalt  }
0x73: {  	_ =	shalt  }
0x74: {  	_ =	shalt  }
0x75: {  	_ =	shalt  }
0x76: {  	_ =	shalt  }
0x77: {  	_ =	shalt  }
0x78: {  	_ =	shalt  }
0x79: {  	_ =	shalt  }
0x7a: {  	_ =	shalt  }
0x7b: {  	_ =	shalt  }
0x7c: {  	_ =	shalt  }
0x7d: {  	_ =	shalt  }
0x7e: {  	_ =	shalt  }
0x7f: {  	_ =	shalt  }
0x80: {  	_ =	shalt  }
0x81: {  	_ =	shalt  }
0x82: {  	_ =	shalt  }
0x83: {  	_ =	shalt  }
0x84: {  	_ =	shalt  }
0x85: {  	_ =	shalt  }
0x86: {  	_ =	shalt  }
0x87: {  	_ =	shalt  }
.Lfunc_end0:
.L_simem_size_0:
called_computation.1_lowered:
.L_overlay_start_0:
0x88: {  	s2 =	sld [smem:$0x3FD9]  }
0x89: {  	s3 =	sld [smem:$0x3FFE];
	_ =	sdelay $0x1  }
0x8a: {  	s1 =	srdreg.scid  }
0x8b: {  	s0 =	sand.u32 $0x1, s1  }
0x8c: {  	s17 =	sshll.u32 s0, $0xA;
	s2 =	sadd.s32 s3, s2  }
0x8d: {  	s2 =	sadd.s32 s2, s17  }
0x8e: {  	[smem:$0x3FC3] =	sst s2  }
0x8f: {  	_ = 	snop  }
0x90: {  	s18 =	sld [smem:$0x3FC9]  }
0x91: {  	s4 =	sld [smem:$0x3FD0];
	(tm) =	ssettm $0x1  }
0x92: {  	s19 =	sld [smem:$0x3FFB];
	_ =	sdelay $0x3  }
0x93: {  	_ =	strace s19  }
0x94: {  	s2 =	sld [smem:$0x3FFC];
	_ =	sdelay $0x3  }
0x95: {  	_ =	strace s2  }
0x96: {  	s2 =	sld [smem:$0x3FFD];
	_ =	sdelay $0x3  }
0x97: {  	_ =	strace s2  }
0x98: {  	_ =	strace $0x8FFFFFFF  }
0x99: {  	s20 =	sld [smem:$0x3FDB];
	_ =	sdelay $0x1  }
0x9a: {  	s5 =	simm.s32 $_scs_section_size  }
0x9b: {  	s6 =	simm.s32 $_size__tile_overlayer_lowered;
	s7 =	simm.s32 $_tile_overlayer_lowered  }
0x9c: {  	s8 =	simm.s32 $0x1BFF;
	s21 =	sshll.u32 s7, $0x1;
	s5 =	sadd.s32 s5, s20  }
0x9d: {  	s22 =	simm.s32 $0x0;
	s6 =	sshll.u32 s6, $0x1;
	s7 =	sadd.s32 s21, s5  }
0x9e: {  	[timem:s22], [sflag:s8] =	dma.local [hbm:s7], s6  }
0x9f: {  	_ =	swait.ge [sflag:s8], s6  }
0xa0: {  	s6 =	ssub.s32 $0x0, s6;
	[sflag:s8] =	ssyncset.done $0x0  }
0xa1: {  	[sflag:s8] =	ssyncadd.s32 s6;
	_ =	sdelay $0x1  }
0xa2: {  	s23 =	simm.s32 $0x1B8B  }
0xa3: {  	_ =	swait.ge [sflag:s23], $0x1  }
0xa4: {  	[sflag:s23] =	ssyncset.done $0x0  }
0xa5: {  	[sflag:s23] =	ssyncadd.s32 $0xFFFFFFFF  }
0xa6: {  	s6 =	sld [smem:$0x0]  }
0xa7: {  	s7 =	sand.u32 $0xFFFFFFFE, s1  }
0xa8: {  	p0 =	sne.s32 s1, s7  }
0xa9: {  	s7 =	sshll.u32 @p0 s7, $0xE  }
0xaa: {  	s7 =	sadd.s32 @p0 $0x11B8D, s7;
	s8 =	sshll.u32 @p0 s6, $0x11  }
0xab: {  	s7 =	sor.u32 @p0 s8, s7  }
0xac: {  	[sflag:s7] =	ssyncadd.remote.s32 @p0 $0x1;
	_ =	sdelay $0x1  }
0xad: {  	s7 =	simm.s32 @p0 $0x1B8D  }
0xae: {  	_ =	swait.eq @p0 [sflag:s7], $0x1  }
0xaf: {  	[sflag:s7] =	ssyncadd.s32 @p0 $0xFFFFFFFF  }
0xb0: {  	s8 =	sshll.u32 @!p0 s1, $0xE  }
0xb1: {  	s8 =	sor.u32 @!p0 $0x4000, s8;
	s7 =	simm.s32 @!p0 $0x1B8D  }
0xb2: {  	s6 =	sshll.u32 @!p0 s6, $0x11;
	s8 =	sadd.s32 @!p0 $0x11B8D, s8;
	_ =	swait.eq @!p0 [sflag:s7], $0x1  }
0xb3: {  	s6 =	sor.u32 @!p0 s6, s8;
	[sflag:s7] =	ssyncadd.s32 @!p0 $0xFFFFFFFF  }
0xb4: {  	s25 =	simm.s32 $0x1B8E;
	s24 =	sld [smem:$0x3FFE];
	[sflag:s6] =	ssyncadd.remote.s32 @!p0 $0x1  }
0xb5: {  	s26 =	simm.s32 $execute0_lowered;
	[smem:$0x3FD2] =	sst s25  }
0xb6: {  	s7 =	sshll.u32 s26, $0x1;
	_ =	strace $0x80000049;
	[dreg:$0x1] =	wrdreg $0xFFFFFFFF  }
0xb7: {  	s28 =	simm.s32 $_size_execute0_lowered;
	s5 =	sadd.s32 s5, s7;
	[dreg:$0x0] =	wrdreg $0x0  }
0xb8: {  	s7 =	sshll.u32 s28, $0x1;
	[dreg:$0x2] =	wrdreg s5  }
0xb9: {  	[dreg:$0x3] =	wrdreg s7  }
0xba: {  	[dreg:$0x4] =	wrdreg $0xC0  }
0xbb: {  	_ =	task [dreg:s22], $0x5FFFF  }
0xbc: {  	[dreg:$0x1] =	wrdreg $0xFFFFFFFF  }
0xbd: {  	[dreg:$0x0] =	wrdreg $0x60  }
0xbe: {  	[dreg:$0x2] =	wrdreg s4  }
0xbf: {  	[dreg:$0x3] =	wrdreg s18  }
0xc0: {  	[dreg:$0x4] =	wrdreg s24  }
0xc1: {  	[dreg:$0x5] =	wrdreg $0xA  }
0xc2: {  	_ =	task.clear_ibuf [dreg:s22], $0x6FFFF;
	_ =	strace $0x90000049  }
0xc3: {  	s29 =	simm.s32 $0xA;
	_ =	strace $0x8000004B  }
0xc4: {  	_ =	swait.ge [sflag:s29], $0x1  }
0xc5: {  	[sflag:s29] =	ssyncadd.s32 $0xFFFFFFFF  }
0xc6: {  	_ =	strace $0x9000004B  }
0xc7: {  	_ =	sfence  }
0xc8: {  	s30 =	sld [smem:$0x0];
	_ =	sdelay $0x2  }
0xc9: {  	s31 =	sshll.u32 s1, $0xD;
	s1 =	sshrl.u32 s1, $0x2  }
0xca: {  	s4 =	sand.u32 $0x4000, s31;
	s1 =	sadd.s32 s1, s30  }
0xcb: {  	s0 =	sor.u32 s4, s0;
	s1 =	sshll.u32 s1, $0x11  }
0xcc: {  	s0 =	sor.u32 s1, s0  }
0xcd: {  	s0 =	sadd.s32 $0x8F2B, s0  }
0xce: {  	[sflag:s0] =	ssyncadd.remote.s32 $0x1  }
0xcf: {  	_ =	sfence.sel $0xFFFF  }
0xd0: {  	[dreg:$0x0] =	wrdreg $0xFFFFFFFF;
	(pc) =	sbr.abs _section_cstart, $3  }
0xd1: {  	[dreg:$0x1] =	wrdreg $0xFFFFFFFF  }
0xd2: {  	_ =	task.clear_ibuf [dreg:s22], $0x2FFFF;
	_ =	strace $0x9FFFFFFF  }
0xd3: {  	(tm) =	ssettm $0x7FFFFFFF  }
tec
execute0_lowered:
.L_overlay_start_1:
0x0: {  	(tag) =	ssettag $0x1  }
0x1: {  	s2 =	rddreg [dreg:$0x0]  }
0x2: {  	s4 =	rddreg [dreg:$0x1]  }
0x3: {  	s1 =	srdreg.scid;
	s0 =	stileid.u32  }
0x4: {  	s10 =	rddreg [dreg:$0x2];
	s11 =	sand.u32 $0x1, s1;
	s5 =	sshll.u32 s0, $0x1  }
0x5: {  	s3 =	simm.s32 $0x0;
	v0 =	vlaneseq.u32;
	s1 =	rddreg [dreg:$0x3];
	s12 =	sor.u32 s11, s5  }
0x6: {  	[smem:$0x7FF] =	sst s3;
	v0 =	vmul.u32 $0x2, v0;
	s5 =	sshll.u32 s12, $0x4  }
0x7: {  	_ =	strace $0x8000004A;
	s5 =	sadd.s32 s4, s5;
	s4 =	simm.s32 $0x3  }
0x8: {  	[tilespmem:s3], [sflag:$0x3] =	stream.linear.gather [hbm4b:s5+s3], $0x80, $0x38;
	[tilespmem:$0x2100] =	vst v63  }
0x9: {  	_ =	swait.ge [sflag:s4], $0x80  }
0xa: {  	[sflag:s4] =	ssyncset.done $0x0  }
0xb: {  	[sflag:s4] =	ssyncadd.s32 $0xFFFFFF80  }
0xc: {  	v2 =	vld.idx.msk [tilespmem:v0+s3+$0x0], $0xffff;
	_ =	sdelay $0x4  }
0xd: {  	v1 =	vor.u32 $0x20, v0;
	v3 =	vshll.u32 v2, $0x1  }
0xe: {  	v4 =	vshrl.u32 v2, $0xC;
	v2 =	vand.u32 $0xFFFFE000, v2;
	v3 =	vand.u32 $0x1FFE, v3  }
0xf: {  	v2 =	vor.u32 v2, v3;
	v3 =	vand.u32 $0x1, v4  }
0x10: {  	v2 =	vor.u32 v3, v2  }
0x11: {  	[tilespmem:$0x80] =	vst v2  }
0x12: {  	v3 =	vld.idx.msk [tilespmem:v1+s3+$0x0], $0xffff;
	_ =	sdelay $0x4  }
0x13: {  	v2 =	vor.u32 $0x40, v0;
	v4 =	vshll.u32 v3, $0x1  }
0x14: {  	v5 =	vshrl.u32 v3, $0xC;
	v3 =	vand.u32 $0xFFFFE000, v3;
	v4 =	vand.u32 $0x1FFE, v4  }
0x15: {  	v3 =	vor.u32 v3, v4;
	v4 =	vand.u32 $0x1, v5  }
0x16: {  	v3 =	vor.u32 v4, v3  }
0x17: {  	[tilespmem:$0x90] =	vst v3  }
0x18: {  	v4 =	vld.idx.msk [tilespmem:v2+s3+$0x0], $0xffff;
	_ =	sdelay $0x4  }
0x19: {  	v3 =	vor.u32 $0x60, v0;
	v5 =	vshll.u32 v4, $0x1  }
0x1a: {  	v6 =	vshrl.u32 v4, $0xC;
	v4 =	vand.u32 $0xFFFFE000, v4;
	v5 =	vand.u32 $0x1FFE, v5  }
0x1b: {  	v4 =	vor.u32 v4, v5;
	v5 =	vand.u32 $0x1, v6  }
0x1c: {  	v4 =	vor.u32 v5, v4  }
0x1d: {  	[tilespmem:$0xA0] =	vst v4  }
0x1e: {  	v5 =	vld.idx.msk [tilespmem:v3+s3+$0x0], $0xffff;
	_ =	sdelay $0x4  }
0x1f: {  	v4 =	vor.u32 $0x1, v0;
	v6 =	vshll.u32 v5, $0x1  }
0x20: {  	v7 =	vshrl.u32 v5, $0xC;
	v5 =	vand.u32 $0xFFFFE000, v5;
	v6 =	vand.u32 $0x1FFE, v6  }
0x21: {  	v5 =	vor.u32 v5, v6;
	v6 =	vand.u32 $0x1, v7  }
0x22: {  	v5 =	vor.u32 v6, v5  }
0x23: {  	[tilespmem:$0xB0] =	vst v5  }
0x24: {  	v6 =	vld.idx.msk [tilespmem:v4+s3+$0x0], $0xffff;
	_ =	sdelay $0x4  }
0x25: {  	v5 =	vor.u32 $0x21, v0;
	v7 =	vshll.u32 v6, $0x1  }
0x26: {  	v8 =	vshrl.u32 v6, $0xC;
	v6 =	vand.u32 $0xFFFFE000, v6;
	v7 =	vand.u32 $0x1FFE, v7  }
0x27: {  	v6 =	vor.u32 v6, v7;
	v7 =	vand.u32 $0x1, v8  }
0x28: {  	v6 =	vor.u32 v7, v6  }
0x29: {  	[tilespmem:$0xC0] =	vst v6  }
0x2a: {  	v7 =	vld.idx.msk [tilespmem:v5+s3+$0x0], $0xffff;
	_ =	sdelay $0x4  }
0x2b: {  	v6 =	vor.u32 $0x41, v0;
	v8 =	vshll.u32 v7, $0x1  }
0x2c: {  	v9 =	vshrl.u32 v7, $0xC;
	v7 =	vand.u32 $0xFFFFE000, v7;
	v8 =	vand.u32 $0x1FFE, v8  }
0x2d: {  	v7 =	vor.u32 v7, v8;
	v8 =	vand.u32 $0x1, v9  }
0x2e: {  	v7 =	vor.u32 v8, v7  }
0x2f: {  	[tilespmem:$0xD0] =	vst v7  }
0x30: {  	v8 =	vld.idx.msk [tilespmem:v6+s3+$0x0], $0xffff;
	_ =	sdelay $0x4  }
0x31: {  	v7 =	vor.u32 $0x61, v0;
	v59 =	vshll.u32 v8, $0x1  }
0x32: {  	v10 =	vshrl.u32 v8, $0xC;
	v8 =	vand.u32 $0xFFFFE000, v8;
	v9 =	vand.u32 $0x1FFE, v59  }
0x33: {  	v60 =	vand.u32 $0x1, v10;
	v8 =	vor.u32 v8, v9  }
0x34: {  	v8 =	vor.u32 v60, v8  }
0x35: {  	[tilespmem:$0xE0] =	vst v8  }
0x36: {  	v8 =	vld.idx.msk [tilespmem:v7+s3+$0x0], $0xffff;
	_ =	sdelay $0x4  }
0x37: {  	v61 =	vshll.u32 v8, $0x1  }
0x38: {  	v62 =	vshrl.u32 v8, $0xC;
	v8 =	vand.u32 $0xFFFFE000, v8;
	v9 =	vand.u32 $0x1FFE, v61  }
0x39: {  	v63 =	vand.u32 $0x1, v62;
	v8 =	vor.u32 v8, v9  }
0x3a: {  	s6 =	simm.s32 $0x40;
	v8 =	vor.u32 v63, v8  }
0x3b: {  	s7 =	simm.s32 $0x80;
	s8 =	simm.s32 $0x100;
	s9 =	simm.s32 $0x1;
	[tilespmem:$0xF0] =	vst v8  }
0x3c: {  	[tilespmem:s8], [sflag:$0x1] =	stream.indirect.gather [hbm4b:s2+s6], $0x40, s7, s6, $0xb8;
	[tilespmem:$0x2100] =	vst v63  }
0x3d: {  	s12 =	sshll.u32 s12, $0xA;
	_ =	swait.ge [sflag:s9], $0x1000  }
0x3e: {  	s14 =	sadd.s32 s12, s10;
	[sflag:s9] =	ssyncset.done $0x0  }
0x3f: {  	s15 =	ssub.s32 $0x2, s11;
	s10 =	sadd.s32 $0x30B000, s14;
	[sflag:s9] =	ssyncadd.s32 $0xFFFFF000  }
0x40: {  	[hbm4b:s10+s6] =	stream.strided.scatter [tilespmem:s8], [sflag:$0x3], $0x1000, s7, s6, $0x38;
	[tilespmem:$0x2100] =	vst v63  }
0x41: {  	s13 =	simm.s32 $0x2;
	s16 =	sshrl.u32 s15, $0x1;
	_ =	swait.ge [sflag:s4], $0x1000  }
0x42: {  	s11 =	simm.s32 $0xC0;
	s15 =	ssub.s32 s15, s16;
	[sflag:s4] =	ssyncset.done $0x0  }
0x43: {  	s12 =	simm.s32 $0x1100;
	s15 =	smax.u32 s15, $0x1;
	[sflag:s4] =	ssyncadd.s32 $0xFFFFF000  }
0x44: {  	[tilespmem:s12], [sflag:$0x2] =	stream.indirect.gather [hbm4b:s2+s6], $0x40, s11, s6, $0xb8;
	[tilespmem:$0x2100] =	vst v63  }
0x45: {  	p0 =	sne.s32 s15, $0x1;
	_ =	swait.ge [sflag:s13], $0x1000  }
.Ltmp0:
0x46: {  	[sflag:s13] =	ssyncset.done $0x0;
	(pc) =	sbr.rel @!p0 .LBB2_2-.Ltmp0, $4  }
0x47: {  	s14 =	sadd.s32 $0x30B008, s14;
	[sflag:s13] =	ssyncadd.s32 $0xFFFFF000  }
0x48: {  	[hbm4b:s14+s6] =	stream.strided.scatter [tilespmem:s12], [sflag:$0x3], $0x1000, s7, s6, $0x38;
	[tilespmem:$0x2100] =	vst v63  }
0x49: {  	_ =	swait.ge [sflag:s4], $0x1000  }
0x4a: {  	s15 =	sadd.s32 $0xFFFFFFFF, s15;
	[sflag:s4] =	ssyncset.done $0x0  }
.LBB2_1:
0x4b: {  	p0 =	sne.s32 s15, $0x1;
	s15 =	sadd.s32 $0xFFFFFFFF, s15;
	[sflag:s4] =	ssyncadd.s32 $0xFFFFF000  }
0x4c: {  	[tilespmem:s3], [sflag:$0x3] =	stream.linear.gather [hbm4b:s5+s3], $0x80, $0x38;
	[tilespmem:$0x2100] =	vst v63  }
0x4d: {  	_ =	swait.ge [sflag:s4], $0x80  }
0x4e: {  	[sflag:s4] =	ssyncset.done $0x0  }
0x4f: {  	[sflag:s4] =	ssyncadd.s32 $0xFFFFFF80  }
0x50: {  	v8 =	vld.idx.msk [tilespmem:v0+s3+$0x0], $0xffff;
	_ =	sdelay $0x5  }
0x51: {  	v9 =	vshll.u32 v8, $0x1;
	v10 =	vshrl.u32 v8, $0xC  }
0x52: {  	v8 =	vand.u32 $0xFFFFE000, v8;
	v9 =	vand.u32 $0x1FFE, v9  }
0x53: {  	v8 =	vor.u32 v8, v9;
	v9 =	vand.u32 $0x1, v10  }
0x54: {  	v8 =	vor.u32 v9, v8  }
0x55: {  	[tilespmem:$0x80] =	vst v8  }
0x56: {  	v8 =	vld.idx.msk [tilespmem:v1+s3+$0x0], $0xffff;
	_ =	sdelay $0x5  }
0x57: {  	v9 =	vshll.u32 v8, $0x1;
	v10 =	vshrl.u32 v8, $0xC  }
0x58: {  	v8 =	vand.u32 $0xFFFFE000, v8;
	v9 =	vand.u32 $0x1FFE, v9  }
0x59: {  	v8 =	vor.u32 v8, v9;
	v9 =	vand.u32 $0x1, v10  }
0x5a: {  	v8 =	vor.u32 v9, v8  }
0x5b: {  	[tilespmem:$0x90] =	vst v8  }
0x5c: {  	v8 =	vld.idx.msk [tilespmem:v2+s3+$0x0], $0xffff;
	_ =	sdelay $0x5  }
0x5d: {  	v9 =	vshll.u32 v8, $0x1;
	v10 =	vshrl.u32 v8, $0xC  }
0x5e: {  	v8 =	vand.u32 $0xFFFFE000, v8;
	v9 =	vand.u32 $0x1FFE, v9  }
0x5f: {  	v8 =	vor.u32 v8, v9;
	v9 =	vand.u32 $0x1, v10  }
0x60: {  	v8 =	vor.u32 v9, v8  }
0x61: {  	[tilespmem:$0xA0] =	vst v8  }
0x62: {  	v8 =	vld.idx.msk [tilespmem:v3+s3+$0x0], $0xffff;
	_ =	sdelay $0x5  }
0x63: {  	v9 =	vshll.u32 v8, $0x1;
	v10 =	vshrl.u32 v8, $0xC  }
0x64: {  	v8 =	vand.u32 $0xFFFFE000, v8;
	v9 =	vand.u32 $0x1FFE, v9  }
0x65: {  	v8 =	vor.u32 v8, v9;
	v9 =	vand.u32 $0x1, v10  }
0x66: {  	v8 =	vor.u32 v9, v8  }
0x67: {  	[tilespmem:$0xB0] =	vst v8  }
0x68: {  	v8 =	vld.idx.msk [tilespmem:v4+s3+$0x0], $0xffff;
	_ =	sdelay $0x5  }
0x69: {  	v9 =	vshll.u32 v8, $0x1;
	v10 =	vshrl.u32 v8, $0xC  }
0x6a: {  	v8 =	vand.u32 $0xFFFFE000, v8;
	v9 =	vand.u32 $0x1FFE, v9  }
0x6b: {  	v8 =	vor.u32 v8, v9;
	v9 =	vand.u32 $0x1, v10  }
0x6c: {  	v8 =	vor.u32 v9, v8  }
0x6d: {  	[tilespmem:$0xC0] =	vst v8  }
0x6e: {  	v8 =	vld.idx.msk [tilespmem:v5+s3+$0x0], $0xffff;
	_ =	sdelay $0x5  }
0x6f: {  	v9 =	vshll.u32 v8, $0x1;
	v10 =	vshrl.u32 v8, $0xC  }
0x70: {  	v8 =	vand.u32 $0xFFFFE000, v8;
	v9 =	vand.u32 $0x1FFE, v9  }
0x71: {  	v8 =	vor.u32 v8, v9;
	v9 =	vand.u32 $0x1, v10  }
0x72: {  	v8 =	vor.u32 v9, v8  }
0x73: {  	[tilespmem:$0xD0] =	vst v8  }
0x74: {  	v8 =	vld.idx.msk [tilespmem:v6+s3+$0x0], $0xffff;
	_ =	sdelay $0x5  }
0x75: {  	v9 =	vshll.u32 v8, $0x1;
	v10 =	vshrl.u32 v8, $0xC  }
0x76: {  	v8 =	vand.u32 $0xFFFFE000, v8;
	v9 =	vand.u32 $0x1FFE, v9  }
0x77: {  	v8 =	vor.u32 v8, v9;
	v9 =	vand.u32 $0x1, v10  }
0x78: {  	v8 =	vor.u32 v9, v8  }
0x79: {  	[tilespmem:$0xE0] =	vst v8  }
0x7a: {  	v8 =	vld.idx.msk [tilespmem:v7+s3+$0x0], $0xffff;
	_ =	sdelay $0x5  }
0x7b: {  	v9 =	vshll.u32 v8, $0x1;
	v10 =	vshrl.u32 v8, $0xC  }
0x7c: {  	v8 =	vand.u32 $0xFFFFE000, v8;
	v9 =	vand.u32 $0x1FFE, v9  }
0x7d: {  	v8 =	vor.u32 v8, v9;
	v9 =	vand.u32 $0x1, v10  }
0x7e: {  	v8 =	vor.u32 v9, v8  }
0x7f: {  	[tilespmem:$0xF0] =	vst v8  }
0x80: {  	[tilespmem:s8], [sflag:$0x1] =	stream.indirect.gather [hbm4b:s2+s6], $0x40, s7, s6, $0xb8;
	[tilespmem:$0x2100] =	vst v63  }
0x81: {  	_ =	swait.ge [sflag:s9], $0x1000  }
0x82: {  	[sflag:s9] =	ssyncset.done $0x0  }
0x83: {  	[sflag:s9] =	ssyncadd.s32 $0xFFFFF000  }
0x84: {  	[hbm4b:s10+s6] =	stream.strided.scatter [tilespmem:s8], [sflag:$0x3], $0x1000, s7, s6, $0x38;
	[tilespmem:$0x2100] =	vst v63  }
0x85: {  	_ =	swait.ge [sflag:s4], $0x1000  }
0x86: {  	[sflag:s4] =	ssyncset.done $0x0  }
0x87: {  	[sflag:s4] =	ssyncadd.s32 $0xFFFFF000  }
0x88: {  	[tilespmem:s12], [sflag:$0x2] =	stream.indirect.gather [hbm4b:s2+s6], $0x40, s11, s6, $0xb8;
	[tilespmem:$0x2100] =	vst v63  }
0x89: {  	_ =	swait.ge [sflag:s13], $0x1000  }
.Ltmp1:
0x8a: {  	[sflag:s13] =	ssyncset.done $0x0;
	(pc) =	sbr.rel @p0 .LBB2_1-.Ltmp1, $4  }
0x8b: {  	[sflag:s13] =	ssyncadd.s32 $0xFFFFF000  }
0x8c: {  	[hbm4b:s14+s6] =	stream.strided.scatter [tilespmem:s12], [sflag:$0x3], $0x1000, s7, s6, $0x38;
	[tilespmem:$0x2100] =	vst v63  }
0x8d: {  	_ =	swait.ge [sflag:s4], $0x1000  }
0x8e: {  	[sflag:s4] =	ssyncset.done $0x0  }
.LBB2_2:
0x8f: {  	[sflag:s4] =	ssyncadd.s32 $0xFFFFF000  }
0x90: {  	_ =	sfence.sel $0x180000  }
0x91: {  	[bflag:$0x0] =	sbarrier.arrive $0xFFFF  }
0x92: {  	p0 =	sne.s32 s0, $0x0;
	_ =	strace $0x9000004A  }
0x93: {  	s0 =	sadd.s32 @!p0 $0x100000, s1;
	[bflag:$0x2] =	sbarrier.arrive $0xFFFF  }
0x94: {  	[sflag:s0] =	ssyncadd.tile.s32 @!p0 $0x1;
	_ =	shalt  }
.Lfunc_end2:
_tile_overlayer_lowered:
.L_overlay_start_2:
0x95: {  	(tag) =	ssettag $0x2  }
0x96: {  	s0 =	rddreg [dreg:$0x0];
	s2 =	stileid.u32  }
0x97: {  	s1 =	rddreg [dreg:$0x1];
	p0 =	sne.s32 s2, $0x0  }
0x98: {  	s3 =	rddreg [dreg:$0x2];
	[bflag:$0x3] =	sbarrier.arrive $0xFFFF;
	s2 =	simm.s32 @!p0 $0x1C03  }
0x99: {  	[timem:s3], [sflag:s2] =	dma.local @!p0 [hbm:s0], s1  }
0x9a: {  	s0 =	simm.s32 @!p0 $0x3  }
0x9b: {  	_ =	swait.ge @!p0 [sflag:s0], s1  }
0x9c: {  	s1 =	ssub.s32 @!p0 $0x0, s1;
	[sflag:s0] =	ssyncset.done @!p0 $0x0  }
0x9d: {  	[sflag:s0] =	ssyncadd.s32 @!p0 s1  }
0x9e: {  	[bflag:$0x3] =	sbarrier.arrive $0xFFFF  }
0x9f: {  	_ =	shalt  }

// kernel: kernel.8.cloned.1.call-start
scs
__scs_entry_jumppad:
0x0: {  	(pc) =	sbr.rel $0x88, $3  }
0x1: {  	(tag) =	ssettag $0x0;
	lr =	simm.s32 $0x1  }
0x2: {  	[smem:$0x3F9C] =	sst lr;
	_ =	strace $0xD0000000  }
0x3: {  	_ = 	snop  }
0x4: {  	_ = 	snop  }
0x5: {  	_ = 	snop  }
0x6: {  	_ = 	snop  }
0x7: {  	_ = 	snop  }
__scs_overlays_trampoline_lowered:
0x8: {  	[smem:$0x3FAB] =	sst s0  }
0x9: {  	[smem:$0x3FAC] =	sst s1  }
0xa: {  	[smem:$0x3FAD] =	sst s2  }
0xb: {  	[smem:$0x3FAE] =	sst s3  }
0xc: {  	[smem:$0x3FAF] =	sst s4  }
0xd: {  	[smem:$0x3FB0] =	sst s5  }
0xe: {  	[smem:$0x3FB1] =	sst s6  }
0xf: {  	[smem:$0x3FB2] =	sst s7  }
0x10: {  	[smem:$0x3FB3] =	sst s8  }
0x11: {  	[smem:$0x3FB4] =	sst s9;
	s0 =	simm.s32 @!p0 $0x0  }
0x12: {  	s1 =	sld [smem:$0x3F9A];
	s0 =	simm.s32 @p0 $0x1  }
0x13: {  	[smem:$0x3FB5] =	sst s0;
	s0 =	simm.s32 @!p1 $0x0  }
0x14: {  	s2 =	sld [smem:$0x3F99];
	s0 =	simm.s32 @p1 $0x1  }
0x15: {  	[smem:$0x3FB6] =	sst s0;
	s0 =	simm.s32 @!p2 $0x0  }
0x16: {  	s3 =	sld [smem:$0x3FDB];
	s0 =	simm.s32 @p2 $0x1  }
0x17: {  	s4 =	simm.s32 $0x1BF5;
	[smem:$0x3FB8] =	sst s0  }
0x18: {  	s0 =	sld [smem:$0x3F9B];
	_ =	swait.ge [sflag:s4], $0x0  }
0x19: {  	s7 =	sld [smem:$0x3F9C]  }
0x1a: {  	s8 =	sadd.s32 $0xFFFFE003, lr  }
0x1b: {  	s9 =	sadd.s32 $0xFFFFFEF7, lr;
	s5 =	simm.s32 $0xFFFFFFFF;
	p2 =	slt.u32 s8, $0xFFFFF086  }
0x1c: {  	p1 =	slt.u32 s9, $0xF7A;
	s5 =	simm.s32 @!p2 $0x0  }
0x1d: {  	s5 =	simm.s32 @p1 $0x1;
	p0 =	seq.s32 s7, s2  }
0x1e: {  	s7 =	smul.u32 @!p0 $0xF7A, s2;
	p2 =	seq.s32 @!p0 s5, $0x0  }
0x1f: {  	s9 =	smul.u32 $0xF7A, s1;
	s8 =	simm.s32 @!p0 $0x1BF5;
	p2 =	por !p2, p0  }
0x20: {  	[sflag:s8] =	ssyncset.s32 @!p0 $0xFFFFF086;
	s6 =	sadd.s32 @!p0 s3, s7;
	s7 =	simm.s32 @!p0 $0x108  }
0x21: {  	s3 =	sadd.s32 s3, s9;
	s6 =	sadd.s32 @!p0 $0x88, s6;
	s7 =	simm.s32 @p2 $0x1082  }
0x22: {  	[simem:s7], [sflag:s8] =	dma.local @!p0 [hbm:s6], $0xF7A  }
0x23: {  	s9 =	sor.u32 $0xD0000000, s2;
	s6 =	simm.s32 $0x108;
	_ =	swait.ge @!p0 [sflag:s8], $0x0  }
0x24: {  	s3 =	sadd.s32 $0x88, s3;
	s6 =	simm.s32 @!p1 $0x1082;
	[sflag:s4] =	ssyncset.s32 $0xFFFFF086  }
0x25: {  	[simem:s6], [sflag:s4] =	dma.local [hbm:s3], $0xF7A  }
0x26: {  	[smem:$0x3F9C] =	sst s1;
	(tag) =	ssettag s2;
	_ =	strace s9  }
0x27: {  	s1 =	sld [smem:$0x3FAC]  }
0x28: {  	s2 =	sld [smem:$0x3FAD]  }
0x29: {  	s4 =	sld [smem:$0x3FAF]  }
0x2a: {  	p0 =	seq.s32 s5, $0x0;
	s5 =	sld [smem:$0x3FB0]  }
0x2b: {  	s6 =	sld [smem:$0x3FB1]  }
0x2c: {  	s7 =	sld [smem:$0x3FB2]  }
0x2d: {  	s3 =	simm.s32 $0x108;
	s8 =	sld [smem:$0x3FB3]  }
0x2e: {  	s3 =	simm.s32 @!p0 $0x1082;
	s9 =	sld [smem:$0x3FB4]  }
0x2f: {  	lr =	sadd.s32 s0, s3;
	s0 =	sld [smem:$0x3FAB]  }
0x30: {  	s3 =	sld [smem:$0x3FAE]  }
0x31: {  	[smem:$0x3FB7] =	sst s10  }
0x32: {  	s10 =	sld [smem:$0x3FB5];
	_ =	sdelay $0x3  }
0x33: {  	p0 =	seq.s32 s10, $0x1;
	s10 =	sld [smem:$0x3FB7];
	_ =	sdelay $0x3  }
0x34: {  	[smem:$0x3FB7] =	sst s10  }
0x35: {  	s10 =	sld [smem:$0x3FB6];
	_ =	sdelay $0x3  }
0x36: {  	p1 =	seq.s32 s10, $0x1;
	s10 =	sld [smem:$0x3FB7];
	_ =	sdelay $0x3  }
0x37: {  	[smem:$0x3FB7] =	sst s10  }
0x38: {  	s10 =	sld [smem:$0x3FB8]  }
0x39: {  	_ = 	snop;
	(pc) =	sbr.ind lr, $3  }
0x3a: {  	_ = 	snop  }
0x3b: {  	_ = 	snop  }
0x3c: {  	p2 =	seq.s32 s10, $0x1;
	s10 =	sld [smem:$0x3FB7]  }
0x3d: {  	_ =	shalt  }
0x3e: {  	_ =	shalt  }
0x3f: {  	_ =	shalt  }
0x40: {  	_ =	shalt  }
0x41: {  	_ =	shalt  }
0x42: {  	_ =	shalt  }
0x43: {  	_ =	shalt  }
0x44: {  	_ =	shalt  }
0x45: {  	_ =	shalt  }
0x46: {  	_ =	shalt  }
0x47: {  	_ =	shalt  }
0x48: {  	_ =	shalt  }
0x49: {  	_ =	shalt  }
0x4a: {  	_ =	shalt  }
0x4b: {  	_ =	shalt  }
0x4c: {  	_ =	shalt  }
0x4d: {  	_ =	shalt  }
0x4e: {  	_ =	shalt  }
0x4f: {  	_ =	shalt  }
0x50: {  	_ =	shalt  }
0x51: {  	_ =	shalt  }
0x52: {  	_ =	shalt  }
0x53: {  	_ =	shalt  }
0x54: {  	_ =	shalt  }
0x55: {  	_ =	shalt  }
0x56: {  	_ =	shalt  }
0x57: {  	_ =	shalt  }
0x58: {  	_ =	shalt  }
0x59: {  	_ =	shalt  }
0x5a: {  	_ =	shalt  }
0x5b: {  	_ =	shalt  }
0x5c: {  	_ =	shalt  }
0x5d: {  	_ =	shalt  }
0x5e: {  	_ =	shalt  }
0x5f: {  	_ =	shalt  }
0x60: {  	_ =	shalt  }
0x61: {  	_ =	shalt  }
0x62: {  	_ =	shalt  }
0x63: {  	_ =	shalt  }
0x64: {  	_ =	shalt  }
0x65: {  	_ =	shalt  }
0x66: {  	_ =	shalt  }
0x67: {  	_ =	shalt  }
0x68: {  	_ =	shalt  }
0x69: {  	_ =	shalt  }
0x6a: {  	_ =	shalt  }
0x6b: {  	_ =	shalt  }
0x6c: {  	_ =	shalt  }
0x6d: {  	_ =	shalt  }
0x6e: {  	_ =	shalt  }
0x6f: {  	_ =	shalt  }
0x70: {  	_ =	shalt  }
0x71: {  	_ =	shalt  }
0x72: {  	_ =	shalt  }
0x73: {  	_ =	shalt  }
0x74: {  	_ =	shalt  }
0x75: {  	_ =	shalt  }
0x76: {  	_ =	shalt  }
0x77: {  	_ =	shalt  }
0x78: {  	_ =	shalt  }
0x79: {  	_ =	shalt  }
0x7a: {  	_ =	shalt  }
0x7b: {  	_ =	shalt  }
0x7c: {  	_ =	shalt  }
0x7d: {  	_ =	shalt  }
0x7e: {  	_ =	shalt  }
0x7f: {  	_ =	shalt  }
0x80: {  	_ =	shalt  }
0x81: {  	_ =	shalt  }
0x82: {  	_ =	shalt  }
0x83: {  	_ =	shalt  }
0x84: {  	_ =	shalt  }
0x85: {  	_ =	shalt  }
0x86: {  	_ =	shalt  }
0x87: {  	_ =	shalt  }
.Lfunc_end0:
.L_simem_size_0:
called_computation_lowered:
.L_overlay_start_0:
0x88: {  	s2 =	sld [smem:$0x3FD9]  }
0x89: {  	s3 =	sld [smem:$0x3FFE];
	_ =	sdelay $0x1  }
0x8a: {  	s1 =	srdreg.scid  }
0x8b: {  	s0 =	sand.u32 $0x1, s1  }
0x8c: {  	s16 =	sshll.u32 s0, $0xA;
	s2 =	sadd.s32 s3, s2  }
0x8d: {  	s2 =	sadd.s32 s2, s16  }
0x8e: {  	[smem:$0x3FC3] =	sst s2  }
0x8f: {  	_ = 	snop  }
0x90: {  	(tm) =	ssettm $0x1  }
0x91: {  	s17 =	sld [smem:$0x3FFB];
	_ =	sdelay $0x3  }
0x92: {  	_ =	strace s17  }
0x93: {  	s2 =	sld [smem:$0x3FFC];
	_ =	sdelay $0x3  }
0x94: {  	_ =	strace s2  }
0x95: {  	s2 =	sld [smem:$0x3FFD];
	_ =	sdelay $0x3  }
0x96: {  	_ =	strace s2  }
0x97: {  	_ =	strace $0x8FFFFFFF  }
0x98: {  	s18 =	sld [smem:$0x3FDB];
	_ =	sdelay $0x1  }
0x99: {  	s19 =	simm.s32 $_scs_section_size  }
0x9a: {  	s4 =	simm.s32 $_size__tile_overlayer_lowered;
	s5 =	simm.s32 $_tile_overlayer_lowered  }
0x9b: {  	s22 =	simm.s32 $0x1BFF;
	s21 =	sshll.u32 s5, $0x1;
	s2 =	sadd.s32 s19, s18  }
0x9c: {  	s6 =	simm.s32 $0x0;
	s20 =	sshll.u32 s4, $0x1;
	s4 =	sadd.s32 s21, s2  }
0x9d: {  	[timem:s6], [sflag:s22] =	dma.local [hbm:s4], s20  }
0x9e: {  	_ =	swait.ge [sflag:s22], s20  }
0x9f: {  	s3 =	ssub.s32 $0x0, s20;
	[sflag:s22] =	ssyncset.done $0x0  }
0xa0: {  	[sflag:s22] =	ssyncadd.s32 s3;
	_ =	sdelay $0x1  }
0xa1: {  	s23 =	simm.s32 $0x1B8B  }
0xa2: {  	_ =	swait.ge [sflag:s23], $0x1  }
0xa3: {  	[sflag:s23] =	ssyncset.done $0x0  }
0xa4: {  	s25 =	simm.s32 $0x1B8E;
	s24 =	sld [smem:$0x3FFE];
	[sflag:s23] =	ssyncadd.s32 $0xFFFFFFFF  }
0xa5: {  	s26 =	simm.s32 $execute0_lowered;
	[smem:$0x3FD2] =	sst s25  }
0xa6: {  	s4 =	sshll.u32 s26, $0x1;
	_ =	strace $0x80000046;
	[dreg:$0x1] =	wrdreg $0xFFFFFFFF  }
0xa7: {  	s28 =	simm.s32 $_size_execute0_lowered;
	s2 =	sadd.s32 s2, s4;
	[dreg:$0x0] =	wrdreg $0x0  }
0xa8: {  	s4 =	sshll.u32 s28, $0x1;
	[dreg:$0x2] =	wrdreg s2  }
0xa9: {  	[dreg:$0x3] =	wrdreg s4  }
0xaa: {  	[dreg:$0x4] =	wrdreg $0xC0  }
0xab: {  	_ =	task [dreg:s6], $0x5FFFF  }
0xac: {  	[dreg:$0x1] =	wrdreg $0xFFFFFFFF  }
0xad: {  	[dreg:$0x0] =	wrdreg $0x60  }
0xae: {  	[dreg:$0x2] =	wrdreg s24  }
0xaf: {  	[dreg:$0x3] =	wrdreg $0x9  }
0xb0: {  	_ =	task.clear_ibuf [dreg:s6], $0x4FFFF;
	_ =	strace $0x90000046  }
0xb1: {  	s29 =	simm.s32 $0x9;
	_ =	strace $0x80000048  }
0xb2: {  	_ =	swait.ge [sflag:s29], $0x1  }
0xb3: {  	[sflag:s29] =	ssyncadd.s32 $0xFFFFFFFF  }
0xb4: {  	_ =	strace $0x90000048  }
0xb5: {  	_ =	sfence  }
0xb6: {  	s30 =	sld [smem:$0x0];
	_ =	sdelay $0x2  }
0xb7: {  	s31 =	sshll.u32 s1, $0xD;
	s1 =	sshrl.u32 s1, $0x2  }
0xb8: {  	s3 =	sand.u32 $0x4000, s31;
	s1 =	sadd.s32 s1, s30  }
0xb9: {  	s0 =	sor.u32 s3, s0;
	s1 =	sshll.u32 s1, $0x11  }
0xba: {  	s0 =	sor.u32 s1, s0  }
0xbb: {  	s0 =	sadd.s32 $0x8F2B, s0  }
0xbc: {  	[sflag:s0] =	ssyncadd.remote.s32 $0x1  }
0xbd: {  	_ =	sfence.sel $0xFFFF  }
0xbe: {  	[dreg:$0x0] =	wrdreg $0xFFFFFFFF;
	(pc) =	sbr.abs _section_cstart, $3  }
0xbf: {  	[dreg:$0x1] =	wrdreg $0xFFFFFFFF  }
0xc0: {  	_ =	task.clear_ibuf [dreg:s6], $0x2FFFF;
	_ =	strace $0x9FFFFFFF  }
0xc1: {  	(tm) =	ssettm $0x7FFFFFFF  }
tec
execute0_lowered:
.L_overlay_start_1:
0x0: {  	(tag) =	ssettag $0x1  }
0x1: {  	s0 =	rddreg [dreg:$0x0];
	s2 =	simm.s32 $0x0  }
0x2: {  	s1 =	srdreg.scid;
	s4 =	stileid.u32;
	s8 =	simm.s32 $0xD  }
0x3: {  	s10 =	simm.s32 $0x80;
	s17 =	simm.s32 $0x2980;
	s18 =	simm.s32 $0xAB00  }
0x4: {  	s19 =	simm.s32 $0x40;
	s20 =	simm.s32 $0x7;
	s21 =	simm.s32 $0x8  }
0x5: {  	s22 =	simm.s32 $0x9;
	s23 =	simm.s32 $0xA;
	s24 =	simm.s32 $0xB  }
0x6: {  	s25 =	simm.s32 $0xC;
	s26 =	simm.s32 $0x0;
	s1 =	sand.u32 $0x1, s1  }
0x7: {  	s3 =	sshll.u32 s4, $0x1;
	s4 =	smul.u32 $0x118000, s4;
	[smem:$0x7FF] =	sst s2  }
0x8: {  	s5 =	sor.u32 s1, s3;
	s6 =	smul.u32 $0x8C000, s1;
	_ =	strace $0x80000047  }
0x9: {  	s3 =	sadd.s32 $0x1000, s0;
	s1 =	ssub.s32 $0x2, s1;
	s7 =	smul.u32 $0x180, s5  }
0xa: {  	s5 =	smul.u32 $0x380, s5;
	s31 =	sshrl.u32 s1, $0x1;
	s4 =	sadd.s32 s6, s4  }
0xb: {  	s1 =	ssub.s32 s1, s31;
	s30 =	sadd.s32 s7, s0;
	s4 =	sshrl.u32 s4, $0x3  }
0xc: {  	v0 =	vlaneseq.u32;
	s5 =	sadd.s32 s5, s0;
	s6 =	smax.u32 s1, $0x1;
	s0 =	sadd.s32 s4, s0  }
0xd: {  	v0 =	vmul.u32 $0x2, v0;
	s4 =	sadd.s32 $0xD8000, s30;
	s5 =	sadd.s32 $0xD1000, s5;
	s7 =	sadd.s32 $0xDB008, s0  }
.LBB2_1:
0xe: {  	s0 =	sand.u32 $0x1, s2;
	p1 =	por $0x0, $0x0  }
0xf: {  	v1 =	vor.u32 s0, v0;
	s1 =	simm.s32 @p1 $0xFFFFFFEC  }
0x10: {  	[tilespmem:s2], [sflag:$0xD] =	stream.linear.gather [hbm4b:s4+s2], $0xC00, $0x38;
	v2 =	vmov @p1 s1;
	v3 =	vmul.u32 @p1 $0x38, v1;
	[tilespmem:$0x10B00] =	vst v63  }
0x11: {  	_ =	swait.ge [sflag:s8], $0xC00;
	p0 =	por p1, p1;
	v4 =	vand.u32 @p1 $0xFFFFFFF8, v2  }
0x12: {  	[sflag:s8] =	ssyncset.done $0x0;
	v2 =	vand.u32 @p1 $0x7, v2;
	v3 =	vadd.s32 @p0 v4, v3  }
0x13: {  	s16 =	simm.s32 $0xC00;
	[sflag:s8] =	ssyncadd.s32 $0xFFFFF400;
	v3 =	vor.u32 @p0 v2, v3  }
0x14: {  	[tilespmem:s16], [sflag:$0xD] =	stream.linear.gather [hbm4b:s5+s2], $0x1C00, $0x38;
	[tilespmem:$0x10B00] =	vst v63  }
0x15: {  	s1 =	sor.u32 @p1 $0x20, s0;
	_ =	swait.ge [sflag:s8], $0x1C00  }
0x16: {  	v5 =	vmov @p1 s1;
	[sflag:s8] =	ssyncset.done $0x0  }
0x17: {  	s1 =	simm.s32 @p0 $0xC00;
	v5 =	vmul.u32 @p1 $0x38, v5;
	[sflag:s8] =	ssyncadd.s32 $0xFFFFE400  }
0x18: {  	v3 =	vld.idx.msk @p0 [tilespmem:v3+s1+$0x0], $0xffff  }
0x19: {  	v5 =	vbroadcast @p0 v5, $0x0  }
0x1a: {  	v6 =	vlaneseq.u32 @p1  }
0x1b: {  	v6 =	vmul.u32 @p0 $0x70, v6;
	v5 =	vadd.s32 @p0 v4, v5  }
0x1c: {  	v5 =	vor.u32 @p0 v2, v5  }
0x1d: {  	v5 =	vadd.s32 @p0 v6, v5;
	v7 =	vshll.u32 @p0 v3, $0x1  }
0x1e: {  	v8 =	vand.u32 @p0 $0xFFFFE000, v3;
	v3 =	vshrl.u32 @p0 v3, $0xC;
	v7 =	vand.u32 @p0 $0x1FFE, v7  }
0x1f: {  	s9 =	sor.u32 @p1 $0x40, s0;
	v3 =	vand.u32 @p0 $0x1, v3;
	v7 =	vor.u32 @p0 v8, v7  }
0x20: {  	s28 =	simm.s32 $0x2820;
	v8 =	vmov @p0 s9;
	v3 =	vor.u32 @p0 v3, v7  }
0x21: {  	v7 =	vmul.u32 @p0 $0x38, v8;
	[tilespmem:s28+$0xFFFFFFE0] =	vst @p0 v3  }
0x22: {  	v3 =	vld.idx.msk @p0 [tilespmem:v5+s1+$0x0], $0xffff  }
0x23: {  	v5 =	vbroadcast @p0 v7, $0x0;
	_ =	sdelay $0x1  }
0x24: {  	v5 =	vadd.s32 @p0 v4, v5  }
0x25: {  	v5 =	vor.u32 @p0 v2, v5  }
0x26: {  	v5 =	vadd.s32 @p0 v6, v5;
	v7 =	vshll.u32 @p0 v3, $0x1  }
0x27: {  	v8 =	vand.u32 @p0 $0xFFFFE000, v3;
	v3 =	vshrl.u32 @p0 v3, $0xC;
	v7 =	vand.u32 @p0 $0x1FFE, v7  }
0x28: {  	v3 =	vand.u32 @p0 $0x1, v3;
	v7 =	vor.u32 @p0 v8, v7  }
0x29: {  	v3 =	vor.u32 @p0 v3, v7  }
0x2a: {  	[tilespmem:s28+$0xFFFFFFF0] =	vst @p0 v3  }
0x2b: {  	v3 =	vld.idx.msk @p0 [tilespmem:v5+s1+$0x0], $0xffff  }
0x2c: {  	s9 =	simm.s32 $0x0  }
0x2d: {  	v1 =	vmul.u32 @!p1 $0x18, v1;
	v5 =	vmov @!p1 s9  }
0x2e: {  	v7 =	vand.u32 @!p1 $0x18, v5  }
0x2f: {  	v5 =	vand.u32 @!p0 $0x7, v5;
	v1 =	vadd.s32 @!p0 v7, v1  }
0x30: {  	v1 =	vor.u32 @!p0 v5, v1;
	v9 =	vshll.u32 @p0 v3, $0x1  }
0x31: {  	s9 =	sor.u32 @p1 $0x60, s0;
	v10 =	vand.u32 @p0 $0xFFFFE000, v3;
	v3 =	vshrl.u32 @p0 v3, $0xC;
	v9 =	vand.u32 @p0 $0x1FFE, v9  }
0x32: {  	v8 =	vmov @p0 s9;
	v3 =	vand.u32 @p0 $0x1, v3;
	v9 =	vor.u32 @p0 v10, v9  }
0x33: {  	v8 =	vmul.u32 @p0 $0x38, v8;
	v3 =	vor.u32 @p0 v3, v9  }
0x34: {  	s11 =	simm.s32 @!p0 $0x0;
	s9 =	sor.u32 @!p1 $0x20, s0;
	[tilespmem:s28+$0x0] =	vst @p0 v3  }
0x35: {  	v8 =	vbroadcast @p0 v8, $0x0;
	v3 =	vmov @!p0 s9;
	v1 =	vld.idx.msk @!p0 [tilespmem:v1+s11+$0x0], $0xffff  }
0x36: {  	v9 =	vlaneseq.u32 @!p0;
	v3 =	vmul.u32 @!p0 $0x18, v3  }
0x37: {  	v4 =	vadd.s32 @p0 v4, v8;
	v8 =	vmul.u32 @!p0 $0x30, v9  }
0x38: {  	v2 =	vor.u32 @p0 v2, v4;
	v4 =	vor.u32 @!p0 v5, v7;
	v3 =	vbroadcast @!p0 v3, $0x0  }
0x39: {  	v2 =	vadd.s32 @p0 v6, v2;
	v4 =	vadd.s32 @!p0 v8, v4  }
0x3a: {  	v3 =	vadd.s32 @!p0 v3, v4;
	v5 =	vshll.u32 @!p0 v1, $0x1  }
0x3b: {  	v6 =	vand.u32 @!p0 $0xFFFFE000, v1;
	v1 =	vshrl.u32 @!p0 v1, $0xC;
	v5 =	vand.u32 @!p0 $0x1FFE, v5  }
0x3c: {  	v1 =	vand.u32 @!p0 $0x1, v1;
	v5 =	vor.u32 @!p0 v6, v5  }
0x3d: {  	v1 =	vor.u32 @!p0 v1, v5  }
0x3e: {  	v7 =	vld.idx.msk @p0 [tilespmem:v2+s1+$0x0], $0xffff;
	s1 =	sor.u32 @!p1 $0x40, s0;
	[tilespmem:s28+$0xFFFFFFE0] =	vst @!p0 v1  }
0x3f: {  	v1 =	vmov @!p0 s1;
	v2 =	vld.idx.msk @!p0 [tilespmem:v3+s11+$0x0], $0xffff  }
0x40: {  	v1 =	vmul.u32 @!p0 $0x18, v1;
	_ =	sdelay $0x1  }
0x41: {  	v1 =	vbroadcast @!p0 v1, $0x0;
	_ =	sdelay $0x1  }
0x42: {  	v1 =	vadd.s32 @!p0 v1, v4;
	v3 =	vshll.u32 @!p0 v2, $0x1  }
0x43: {  	v5 =	vand.u32 @!p0 $0xFFFFE000, v2;
	v2 =	vshrl.u32 @!p0 v2, $0xC;
	v3 =	vand.u32 @!p0 $0x1FFE, v3  }
0x44: {  	v2 =	vand.u32 @!p0 $0x1, v2;
	v3 =	vor.u32 @!p0 v5, v3  }
0x45: {  	v2 =	vor.u32 @!p0 v2, v3  }
0x46: {  	s0 =	sor.u32 @!p1 $0x60, s0;
	[tilespmem:s28+$0xFFFFFFF0] =	vst @!p0 v2  }
0x47: {  	v2 =	vmov @!p0 s0;
	v1 =	vld.idx.msk @!p0 [tilespmem:v1+s11+$0x0], $0xffff  }
0x48: {  	v2 =	vmul.u32 @!p0 $0x18, v2;
	_ =	sdelay $0x1  }
0x49: {  	v2 =	vbroadcast @!p0 v2, $0x0;
	_ =	sdelay $0x1  }
0x4a: {  	v2 =	vadd.s32 @!p0 v2, v4;
	v3 =	vshll.u32 @!p0 v1, $0x1  }
0x4b: {  	v4 =	vand.u32 @!p0 $0xFFFFE000, v1;
	v1 =	vshrl.u32 @!p0 v1, $0xC;
	v3 =	vand.u32 @!p0 $0x1FFE, v3  }
0x4c: {  	v1 =	vand.u32 @!p0 $0x1, v1;
	v3 =	vor.u32 @!p0 v4, v3  }
0x4d: {  	v1 =	vor.u32 @!p0 v1, v3  }
0x4e: {  	[tilespmem:s28+$0x0] =	vst @!p0 v1  }
0x4f: {  	p1 =	por $0x0, $0x0;
	s1 =	simm.s32 $0x0;
	v3 =	vld.idx.msk @!p0 [tilespmem:v2+s11+$0x0], $0xffff  }
0x50: {  	s31 =	simm.s32 $0x1;
	s9 =	simm.s32 @p1 $0xFFFFFFEC;
	v6 =	vmov @!p1 s1  }
0x51: {  	v8 =	vmov @p1 s9;
	v5 =	vand.u32 @!p1 $0x18, v6;
	s0 =	sand.u32 $0x1, s31  }
0x52: {  	v4 =	vlaneseq.u32 @p1;
	v1 =	vand.u32 @p1 $0xFFFFFFF8, v8;
	v2 =	vor.u32 s0, v0;
	s11 =	sor.u32 @p1 $0x20, s0  }
0x53: {  	v9 =	vmov @p1 s11;
	v10 =	vmul.u32 @!p1 $0x18, v2;
	v11 =	vmul.u32 @p1 $0x38, v2  }
0x54: {  	s29 =	simm.s32 $0x2;
	v2 =	vand.u32 @p1 $0x7, v8;
	v8 =	vmul.u32 @p1 $0x38, v9;
	v7 =	vpsel p0, v7, v3;
	p0 =	por p1, p1  }
0x55: {  	s30 =	simm.s32 $0x2820;
	s13 =	sor.u32 @p1 $0x40, s0;
	s12 =	sor.u32 @p1 $0x60, s0;
	v9 =	vadd.s32 @p0 v1, v11;
	v3 =	vmul.u32 @p0 $0x70, v4;
	v11 =	vshll.u32 v7, $0x1  }
0x56: {  	s1 =	sor.u32 @!p1 $0x40, s0;
	s11 =	sor.u32 @!p1 $0x20, s0;
	s0 =	sor.u32 @!p1 $0x60, s0;
	v8 =	vbroadcast @p0 v8, $0x0;
	v4 =	vadd.s32 @!p0 v5, v10;
	v10 =	vand.u32 $0x1FFE, v11  }
.LBB2_2:
0x57: {  	v9 =	vor.u32 @p0 v2, v9;
	v11 =	vand.u32 $0xFFFFE000, v7;
	v7 =	vshrl.u32 v7, $0xC;
	s28 =	sadd.s32 $0x40, s28;
	s31 =	smov.u32 s29;
	s29 =	sadd.s32 $0x1, s29  }
0x58: {  	p1 =	sne.s32 s29, $0x8C;
	v8 =	vadd.s32 @p0 v1, v8;
	v10 =	vor.u32 v11, v10;
	v7 =	vand.u32 $0x1, v7  }
0x59: {  	s9 =	simm.s32 @p0 $0xC00;
	v11 =	vmov @p0 s13;
	v8 =	vor.u32 @p0 v2, v8;
	v7 =	vor.u32 v7, v10  }
0x5a: {  	v6 =	vand.u32 @!p0 $0x7, v6;
	v10 =	vmul.u32 @p0 $0x38, v11;
	v8 =	vadd.s32 @p0 v3, v8;
	[tilespmem:s30+$0x10] =	vst v7;
	s30 =	smov.u32 s28  }
0x5b: {  	v5 =	vor.u32 @!p0 v6, v5;
	v11 =	vmov @!p0 s11;
	v7 =	vmov @p0 s12  }
0x5c: {  	v11 =	vmul.u32 @!p0 $0x18, v11;
	v10 =	vbroadcast @p0 v10, $0x0;
	v7 =	vmul.u32 @p0 $0x38, v7;
	v9 =	vld.idx.msk @p0 [tilespmem:v9+s9+$0x0], $0xffff  }
0x5d: {  	v12 =	vlaneseq.u32 @!p0;
	v13 =	vmov @!p0 s1;
	v14 =	vmov @!p0 s0  }
0x5e: {  	v12 =	vmul.u32 @!p0 $0x30, v12;
	v11 =	vbroadcast @!p0 v11, $0x0;
	v7 =	vbroadcast @p0 v7, $0x0  }
0x5f: {  	v13 =	vmul.u32 @!p0 $0x18, v13;
	v14 =	vmul.u32 @!p0 $0x18, v14  }
0x60: {  	v7 =	vadd.s32 @p0 v1, v7  }
0x61: {  	v13 =	vbroadcast @!p0 v13, $0x0;
	v7 =	vor.u32 @p0 v2, v7  }
0x62: {  	v15 =	vand.u32 @p0 $0xFFFFE000, v9;
	v16 =	vshll.u32 @p0 v9, $0x1;
	v9 =	vshrl.u32 @p0 v9, $0xC  }
0x63: {  	v7 =	vadd.s32 @p0 v3, v7;
	v16 =	vand.u32 @p0 $0x1FFE, v16;
	v9 =	vand.u32 @p0 $0x1, v9  }
0x64: {  	v15 =	vor.u32 @p0 v15, v16  }
0x65: {  	v9 =	vor.u32 @p0 v9, v15  }
0x66: {  	[tilespmem:s28+$0xFFFFFFE0] =	vst @p0 v9  }
0x67: {  	v8 =	vld.idx.msk @p0 [tilespmem:v8+s9+$0x0], $0xffff;
	_ =	sdelay $0x1  }
0x68: {  	v1 =	vadd.s32 @p0 v1, v10  }
0x69: {  	v1 =	vor.u32 @p0 v2, v1  }
0x6a: {  	v1 =	vadd.s32 @p0 v3, v1;
	_ =	sdelay $0x1  }
0x6b: {  	v2 =	vand.u32 @p0 $0xFFFFE000, v8;
	v3 =	vshll.u32 @p0 v8, $0x1;
	v8 =	vshrl.u32 @p0 v8, $0xC  }
0x6c: {  	v3 =	vand.u32 @p0 $0x1FFE, v3;
	v8 =	vand.u32 @p0 $0x1, v8  }
0x6d: {  	v2 =	vor.u32 @p0 v2, v3  }
0x6e: {  	v2 =	vor.u32 @p0 v8, v2  }
0x6f: {  	[tilespmem:s28+$0xFFFFFFF0] =	vst @p0 v2  }
0x70: {  	v1 =	vld.idx.msk @p0 [tilespmem:v1+s9+$0x0], $0xffff;
	_ =	sdelay $0x4  }
0x71: {  	v2 =	vor.u32 @!p0 v6, v4  }
0x72: {  	v3 =	vand.u32 @p0 $0xFFFFE000, v1;
	v4 =	vshll.u32 @p0 v1, $0x1;
	v1 =	vshrl.u32 @p0 v1, $0xC  }
0x73: {  	v4 =	vand.u32 @p0 $0x1FFE, v4;
	v1 =	vand.u32 @p0 $0x1, v1  }
0x74: {  	v3 =	vor.u32 @p0 v3, v4  }
0x75: {  	v1 =	vor.u32 @p0 v1, v3  }
0x76: {  	s0 =	simm.s32 @!p0 $0x0;
	[tilespmem:s28+$0x0] =	vst @p0 v1  }
0x77: {  	v1 =	vld.idx.msk @!p0 [tilespmem:v2+s0+$0x0], $0xffff;
	_ =	sdelay $0x2  }
0x78: {  	v2 =	vbroadcast @!p0 v14, $0x0  }
0x79: {  	v3 =	vadd.s32 @!p0 v12, v5  }
0x7a: {  	v4 =	vadd.s32 @!p0 v11, v3;
	v5 =	vadd.s32 @!p0 v13, v3;
	v2 =	vadd.s32 @!p0 v2, v3  }
0x7b: {  	v3 =	vand.u32 @!p0 $0xFFFFE000, v1;
	v6 =	vshll.u32 @!p0 v1, $0x1;
	v1 =	vshrl.u32 @!p0 v1, $0xC  }
0x7c: {  	v6 =	vand.u32 @!p0 $0x1FFE, v6;
	v1 =	vand.u32 @!p0 $0x1, v1  }
0x7d: {  	v3 =	vor.u32 @!p0 v3, v6  }
0x7e: {  	v1 =	vor.u32 @!p0 v1, v3;
	v7 =	vld.idx.msk @p0 [tilespmem:v7+s9+$0x0], $0xffff  }
0x7f: {  	[tilespmem:s28+$0xFFFFFFE0] =	vst @!p0 v1  }
0x80: {  	v1 =	vld.idx.msk @!p0 [tilespmem:v4+s0+$0x0], $0xffff;
	_ =	sdelay $0x5  }
0x81: {  	v3 =	vand.u32 @!p0 $0xFFFFE000, v1;
	v4 =	vshll.u32 @!p0 v1, $0x1;
	v1 =	vshrl.u32 @!p0 v1, $0xC  }
0x82: {  	v4 =	vand.u32 @!p0 $0x1FFE, v4;
	v1 =	vand.u32 @!p0 $0x1, v1  }
0x83: {  	v3 =	vor.u32 @!p0 v3, v4  }
0x84: {  	v1 =	vor.u32 @!p0 v1, v3  }
0x85: {  	[tilespmem:s28+$0xFFFFFFF0] =	vst @!p0 v1  }
0x86: {  	v1 =	vld.idx.msk @!p0 [tilespmem:v5+s0+$0x0], $0xffff;
	_ =	sdelay $0x5  }
0x87: {  	v3 =	vand.u32 @!p0 $0xFFFFE000, v1;
	v4 =	vshll.u32 @!p0 v1, $0x1;
	v1 =	vshrl.u32 @!p0 v1, $0xC  }
0x88: {  	v4 =	vand.u32 @!p0 $0x1FFE, v4;
	v1 =	vand.u32 @!p0 $0x1, v1  }
0x89: {  	v3 =	vor.u32 @!p0 v3, v4  }
0x8a: {  	v1 =	vor.u32 @!p0 v1, v3  }
0x8b: {  	[tilespmem:s28+$0x0] =	vst @!p0 v1  }
0x8c: {  	v3 =	vld.idx.msk @!p0 [tilespmem:v2+s0+$0x0], $0xffff;
	_ =	sdelay $0x1  }
0x8d: {  	p2 =	sgt.u32 s31, $0x27;
	s9 =	sand.u32 $0x1, s31;
	s0 =	sshrl.u32 s31, $0x1  }
0x8e: {  	s11 =	sor.u32 @p2 $0x20, s9;
	s13 =	sor.u32 @p2 $0x40, s9;
	v4 =	vlaneseq.u32 @p2;
	v2 =	vor.u32 s9, v0;
	s1 =	sadd.s32 @p2 $0xFFFFFFEC, s0;
	v6 =	vmov @!p2 s0  }
.Ltmp0:
0x8f: {  	s12 =	sor.u32 @p2 $0x60, s9;
	v9 =	vmov @p2 s11;
	s11 =	sor.u32 @!p2 $0x20, s9;
	v10 =	vmul.u32 @!p2 $0x18, v2;
	v8 =	vmov @p2 s1;
	(pc) =	sbr.rel @p1 .LBB2_2-.Ltmp0, $4  }
0x90: {  	v11 =	vmul.u32 @p2 $0x38, v2;
	s0 =	sor.u32 @!p2 $0x60, s9;
	v5 =	vand.u32 @!p2 $0x18, v6;
	s1 =	sor.u32 @!p2 $0x40, s9;
	v1 =	vand.u32 @p2 $0xFFFFFFF8, v8  }
0x91: {  	v2 =	vand.u32 @p2 $0x7, v8;
	v8 =	vmul.u32 @p2 $0x38, v9;
	v7 =	vpsel p0, v7, v3;
	p0 =	por p2, p2  }
0x92: {  	v9 =	vadd.s32 @p0 v1, v11;
	v3 =	vmul.u32 @p0 $0x70, v4;
	v11 =	vshll.u32 v7, $0x1  }
0x93: {  	v8 =	vbroadcast @p0 v8, $0x0;
	v4 =	vadd.s32 @!p0 v5, v10;
	v10 =	vand.u32 $0x1FFE, v11  }
0x94: {  	v9 =	vor.u32 @p0 v2, v9  }
0x95: {  	v11 =	vand.u32 $0xFFFFE000, v7;
	v63 =	vshrl.u32 v7, $0xC  }
0x96: {  	v10 =	vor.u32 v11, v10;
	v7 =	vand.u32 $0x1, v63  }
0x97: {  	v7 =	vor.u32 v7, v10  }
0x98: {  	s29 =	simm.s32 @p0 $0xC00;
	[tilespmem:s30+$0x10] =	vst v7  }
0x99: {  	v7 =	vld.idx.msk @p0 [tilespmem:v9+s29+$0x0], $0xffff;
	_ =	sdelay $0x2  }
0x9a: {  	v8 =	vadd.s32 @p0 v1, v8  }
0x9b: {  	v8 =	vor.u32 @p0 v2, v8  }
0x9c: {  	v8 =	vadd.s32 @p0 v3, v8;
	v9 =	vshll.u32 @p0 v7, $0x1  }
0x9d: {  	v10 =	vand.u32 @p0 $0xFFFFE000, v7;
	v7 =	vshrl.u32 @p0 v7, $0xC;
	v9 =	vand.u32 @p0 $0x1FFE, v9  }
0x9e: {  	v7 =	vand.u32 @p0 $0x1, v7;
	v9 =	vor.u32 @p0 v10, v9  }
0x9f: {  	s9 =	sadd.s32 $0x40, s28;
	v10 =	vmov @p0 s13;
	v7 =	vor.u32 @p0 v7, v9  }
0xa0: {  	v9 =	vmul.u32 @p0 $0x38, v10;
	[tilespmem:s9+$0xFFFFFFE0] =	vst @p0 v7  }
0xa1: {  	v7 =	vld.idx.msk @p0 [tilespmem:v8+s29+$0x0], $0xffff  }
0xa2: {  	v8 =	vbroadcast @p0 v9, $0x0;
	_ =	sdelay $0x1  }
0xa3: {  	v8 =	vadd.s32 @p0 v1, v8  }
0xa4: {  	v8 =	vor.u32 @p0 v2, v8  }
0xa5: {  	v8 =	vadd.s32 @p0 v3, v8;
	v9 =	vshll.u32 @p0 v7, $0x1  }
0xa6: {  	v10 =	vand.u32 @p0 $0xFFFFE000, v7;
	v7 =	vshrl.u32 @p0 v7, $0xC;
	v9 =	vand.u32 @p0 $0x1FFE, v9  }
0xa7: {  	v7 =	vand.u32 @p0 $0x1, v7;
	v9 =	vor.u32 @p0 v10, v9  }
0xa8: {  	v7 =	vor.u32 @p0 v7, v9  }
0xa9: {  	[tilespmem:s9+$0xFFFFFFF0] =	vst @p0 v7  }
0xaa: {  	v7 =	vld.idx.msk @p0 [tilespmem:v8+s29+$0x0], $0xffff;
	_ =	sdelay $0x3  }
0xab: {  	v6 =	vand.u32 @!p0 $0x7, v6  }
0xac: {  	v4 =	vor.u32 @!p0 v6, v4;
	v9 =	vshll.u32 @p0 v7, $0x1  }
0xad: {  	v10 =	vand.u32 @p0 $0xFFFFE000, v7;
	v7 =	vshrl.u32 @p0 v7, $0xC;
	v9 =	vand.u32 @p0 $0x1FFE, v9  }
0xae: {  	v8 =	vmov @p0 s12;
	v7 =	vand.u32 @p0 $0x1, v7;
	v9 =	vor.u32 @p0 v10, v9  }
0xaf: {  	v8 =	vmul.u32 @p0 $0x38, v8;
	v7 =	vor.u32 @p0 v7, v9  }
0xb0: {  	s12 =	simm.s32 @!p0 $0x0;
	[tilespmem:s9+$0x0] =	vst @p0 v7  }
0xb1: {  	v8 =	vbroadcast @p0 v8, $0x0;
	v7 =	vmov @!p0 s11;
	v4 =	vld.idx.msk @!p0 [tilespmem:v4+s12+$0x0], $0xffff  }
0xb2: {  	v9 =	vlaneseq.u32 @!p0;
	v7 =	vmul.u32 @!p0 $0x18, v7  }
0xb3: {  	v1 =	vadd.s32 @p0 v1, v8;
	v8 =	vmul.u32 @!p0 $0x30, v9  }
0xb4: {  	v1 =	vor.u32 @p0 v2, v1;
	v2 =	vor.u32 @!p0 v6, v5;
	v5 =	vbroadcast @!p0 v7, $0x0  }
0xb5: {  	v1 =	vadd.s32 @p0 v3, v1;
	v2 =	vadd.s32 @!p0 v8, v2  }
0xb6: {  	v3 =	vadd.s32 @!p0 v5, v2;
	v5 =	vshll.u32 @!p0 v4, $0x1  }
0xb7: {  	v6 =	vand.u32 @!p0 $0xFFFFE000, v4;
	v4 =	vshrl.u32 @!p0 v4, $0xC;
	v5 =	vand.u32 @!p0 $0x1FFE, v5  }
0xb8: {  	v4 =	vand.u32 @!p0 $0x1, v4;
	v5 =	vor.u32 @!p0 v6, v5  }
0xb9: {  	v4 =	vor.u32 @!p0 v4, v5  }
0xba: {  	v1 =	vld.idx.msk @p0 [tilespmem:v1+s29+$0x0], $0xffff;
	[tilespmem:s9+$0xFFFFFFE0] =	vst @!p0 v4  }
0xbb: {  	v4 =	vmov @!p0 s1;
	v3 =	vld.idx.msk @!p0 [tilespmem:v3+s12+$0x0], $0xffff  }
0xbc: {  	v4 =	vmul.u32 @!p0 $0x18, v4;
	_ =	sdelay $0x1  }
0xbd: {  	v4 =	vbroadcast @!p0 v4, $0x0;
	_ =	sdelay $0x1  }
0xbe: {  	v4 =	vadd.s32 @!p0 v4, v2;
	v5 =	vshll.u32 @!p0 v3, $0x1  }
0xbf: {  	v6 =	vand.u32 @!p0 $0xFFFFE000, v3;
	v3 =	vshrl.u32 @!p0 v3, $0xC;
	v5 =	vand.u32 @!p0 $0x1FFE, v5  }
0xc0: {  	v3 =	vand.u32 @!p0 $0x1, v3;
	v5 =	vor.u32 @!p0 v6, v5  }
0xc1: {  	v3 =	vor.u32 @!p0 v3, v5  }
0xc2: {  	[tilespmem:s9+$0xFFFFFFF0] =	vst @!p0 v3  }
0xc3: {  	v3 =	vmov @!p0 s0;
	v4 =	vld.idx.msk @!p0 [tilespmem:v4+s12+$0x0], $0xffff  }
0xc4: {  	v3 =	vmul.u32 @!p0 $0x18, v3;
	_ =	sdelay $0x1  }
0xc5: {  	v3 =	vbroadcast @!p0 v3, $0x0;
	_ =	sdelay $0x1  }
0xc6: {  	v2 =	vadd.s32 @!p0 v3, v2;
	v3 =	vshll.u32 @!p0 v4, $0x1  }
0xc7: {  	v5 =	vand.u32 @!p0 $0xFFFFE000, v4;
	v4 =	vshrl.u32 @!p0 v4, $0xC;
	v3 =	vand.u32 @!p0 $0x1FFE, v3  }
0xc8: {  	v4 =	vand.u32 @!p0 $0x1, v4;
	v3 =	vor.u32 @!p0 v5, v3  }
0xc9: {  	v3 =	vor.u32 @!p0 v4, v3  }
0xca: {  	[tilespmem:s9+$0x0] =	vst @!p0 v3  }
0xcb: {  	v2 =	vld.idx.msk @!p0 [tilespmem:v2+s12+$0x0], $0xffff;
	_ =	sdelay $0x4  }
0xcc: {  	v1 =	vpsel p0, v1, v2  }
0xcd: {  	v2 =	vshll.u32 v1, $0x1  }
0xce: {  	v3 =	vand.u32 $0xFFFFE000, v1;
	v1 =	vshrl.u32 v1, $0xC;
	v2 =	vand.u32 $0x1FFE, v2  }
0xcf: {  	v1 =	vand.u32 $0x1, v1;
	v2 =	vor.u32 v3, v2  }
0xd0: {  	v1 =	vor.u32 v1, v2  }
0xd1: {  	s16 =	simm.s32 $0x2800;
	s31 =	simm.s32 $0x4B00;
	p1 =	por $0x0, $0x0;
	[tilespmem:s9+$0x10] =	vst v1  }
0xd2: {  	[tilespmem:s31], [sflag:$0x1] =	stream.indirect.gather [hbm4b:s3+s10], $0x40, s16, s10, $0xb8;
	[tilespmem:$0x10B00] =	vst v63  }
0xd3: {  	p2 =	por @!p1 $0x1, $0x1;
	s1 =	simm.s32 $0x2880;
	s9 =	simm.s32 $0x6B00  }
0xd4: {  	[tilespmem:s9], [sflag:$0x2] =	stream.indirect.gather [hbm4b:s3+s10], $0x40, s1, s10, $0xb8;
	[tilespmem:$0x10B00] =	vst v63  }
0xd5: {  	s13 =	simm.s32 $0x0;
	p0 =	por p2, p1;
	s1 =	simm.s32 $0x4  }
0xd6: {  	s11 =	simm.s32 $0x2900;
	s12 =	simm.s32 $0x8B00;
	s0 =	smul.u32 @!p0 $0xAB, s1  }
0xd7: {  	[tilespmem:s12], [sflag:$0x3] =	stream.indirect.gather [hbm4b:s3+s10], $0x40, s11, s10, $0xb8;
	[tilespmem:$0x10B00] =	vst v63  }
0xd8: {  	s9 =	smul.u32 $0xAB, s13;
	s0 =	sshrl.u32 @!p0 s0, $0xA  }
0xd9: {  	[tilespmem:s18], [sflag:$0x4] =	stream.indirect.gather [hbm4b:s3+s10], $0x40, s17, s10, $0xb8;
	[tilespmem:$0x10B00] =	vst v63  }
0xda: {  	s9 =	sshrl.u32 s9, $0xA;
	s0 =	sand.u32 @!p0 $0x3F, s0  }
0xdb: {  	s14 =	sand.u32 $0x3F, s9;
	s0 =	smul.u32 @!p0 $0x6, s0  }
0xdc: {  	s15 =	smul.u32 $0x6, s14  }
0xdd: {  	p2 =	por !p2, p1;
	p1 =	por p1, p1;
	s0 =	ssub.s32 @!p0 $0x4, s0  }
0xde: {  	s16 =	sadd.s32 $0xFFFFFFF8, s7;
	s13 =	ssub.s32 $0x0, s15;
	s0 =	sand.u32 @!p0 $0xFF, s0  }
0xdf: {  	s11 =	simm.s32 $0x2A00;
	s13 =	sand.u32 $0xFF, s13;
	s12 =	sadd.s32 @!p0 $0x7, s0  }
0xe0: {  	s30 =	sadd.s32 $0x1, s13;
	s28 =	sadd.s32 $0x7, s13;
	_ =	swait.ge @!p0 [sflag:s12], $0x1000  }
0xe1: {  	s29 =	sshll.u32 s13, $0xD;
	s13 =	smov.u32 s7;
	[sflag:s12] =	ssyncset.done @!p0 $0x0  }
0xe2: {  	s1 =	smov.u32 @p2 s0;
	s0 =	simm.s32 $0x1;
	[sflag:s12] =	ssyncadd.s32 @!p0 $0xFFFFF000  }
0xe3: {  	s31 =	sadd.s32 $0x4B00, s29;
	s9 =	sshll.u32 @!p1 s1, $0xD;
	_ =	swait.ge @!p0 [sflag:s12], $0x1000  }
0xe4: {  	s1 =	sadd.s32 @!p1 $0x1, s1;
	s9 =	sand.u32 @!p1 $0x3FFFE000, s9;
	[sflag:s12] =	ssyncset.done @!p0 $0x0  }
0xe5: {  	s9 =	sadd.s32 @!p1 $0x4B00, s9;
	[sflag:s12] =	ssyncadd.s32 @!p0 $0xFFFFF000;
	s12 =	simm.s32 @!p1 $0x80  }
0xe6: {  	[tilespmem:s9], [sflag:s1] =	stream.indirect.gather @!p1 [hbm4b:s3+s12], $0x40, s11, s12, $0xb8;
	[tilespmem:$0x10B00] =	vst v63  }
0xe7: {  	p1 =	por $0x0, $0x0;
	s12 =	simm.s32 $0x2;
	s11 =	simm.s32 $0x5  }
0xe8: {  	s1 =	simm.s32 $0x2A80;
	_ =	swait.ge [sflag:s30], $0x2000;
	p2 =	por @!p1 $0x1, $0x1  }
0xe9: {  	s9 =	smov.u32 s7;
	[sflag:s30] =	ssyncset.done $0x0;
	p0 =	por p2, p1  }
0xea: {  	p3 =	por !p2, p1;
	[sflag:s30] =	ssyncadd.s32 $0xFFFFE000;
	s30 =	smul.u32 @!p0 $0xAB, s11  }
0xeb: {  	[hbm4b:s16+s19] =	stream.strided.scatter [tilespmem:s31], [sflag:s28], $0x1000, s10, s19, $0x38;
	[tilespmem:$0x10B00] =	vst v63  }
.LBB2_4:
0xec: {  	s30 =	sshrl.u32 @!p0 s30, $0xA  }
0xed: {  	s9 =	sadd.s32 $0x400, s9;
	s31 =	smov.u32 s0;
	s0 =	smov.u32 s12  }
0xee: {  	s12 =	sadd.s32 $0x1, s12;
	s14 =	smov.u32 s1;
	p4 =	por p1, p1  }
0xef: {  	p2 =	sne.s32 s12, $0x46;
	s30 =	sand.u32 @!p0 $0x3F, s30  }
0xf0: {  	s29 =	sadd.s32 $0x5B00, s29;
	s30 =	smul.u32 @!p0 $0x6, s30  }
0xf1: {  	[hbm4b:s13+s19] =	stream.strided.scatter [tilespmem:s29], [sflag:s28], $0x1000, s10, s19, $0x38;
	[tilespmem:$0x10B00] =	vst v63  }
0xf2: {  	s13 =	smov.u32 s9;
	s28 =	ssub.s32 @!p0 s11, s30  }
0xf3: {  	s29 =	smul.u32 $0xAB, s31;
	s28 =	sand.u32 @!p0 $0xFF, s28  }
0xf4: {  	s1 =	sadd.s32 $0x80, s1;
	s30 =	sadd.s32 @!p0 $0x7, s28;
	s11 =	smov.u32 @p3 s28  }
0xf5: {  	s29 =	sshrl.u32 s29, $0xA;
	_ =	swait.ge @!p0 [sflag:s30], $0x1000;
	s28 =	sshll.u32 @!p4 s11, $0xD  }
0xf6: {  	s29 =	sand.u32 $0x3F, s29;
	[sflag:s30] =	ssyncset.done @!p0 $0x0;
	s28 =	sand.u32 @!p4 $0x3FFFE000, s28  }
0xf7: {  	[sflag:s30] =	ssyncadd.s32 @!p0 $0xFFFFF000;
	s15 =	sadd.s32 @!p4 $0x4B00, s28;
	s28 =	smul.u32 $0x6, s29  }
0xf8: {  	s16 =	sadd.s32 $0xFFFFFFF8, s9;
	s11 =	sadd.s32 @!p4 $0x1, s11;
	_ =	swait.ge @!p0 [sflag:s30], $0x1000  }
0xf9: {  	p1 =	sgt.u32 s0, $0x41;
	[sflag:s30] =	ssyncset.done @!p0 $0x0;
	s28 =	ssub.s32 s31, s28  }
0xfa: {  	[sflag:s30] =	ssyncadd.s32 @!p0 $0xFFFFF000;
	s30 =	simm.s32 @!p4 $0x80;
	s29 =	sand.u32 $0xFF, s28  }
0xfb: {  	s31 =	sadd.s32 $0x1, s29;
	s28 =	sadd.s32 $0x7, s29;
	s29 =	sshll.u32 s29, $0xD  }
0xfc: {  	[tilespmem:s15], [sflag:s11] =	stream.indirect.gather @!p4 [hbm4b:s3+s30], $0x40, s14, s30, $0xb8;
	[tilespmem:$0x10B00] =	vst v63  }
.Ltmp1:
0xfd: {  	_ = 	snop;
	(pc) =	sbr.rel @p2 .LBB2_4-.Ltmp1, $4  }
0xfe: {  	p3 =	slt.u32 @!p1 s0, $0x2;
	s11 =	sadd.s32 $0x4, s0;
	_ =	swait.ge [sflag:s31], $0x2000  }
0xff: {  	p0 =	por p3, p1;
	p3 =	por !p3, p1;
	[sflag:s31] =	ssyncset.done $0x0  }
0x100: {  	s14 =	sadd.s32 $0x4B00, s29;
	s30 =	smul.u32 @!p0 $0xAB, s11;
	[sflag:s31] =	ssyncadd.s32 $0xFFFFE000  }
0x101: {  	[hbm4b:s16+s19] =	stream.strided.scatter [tilespmem:s14], [sflag:s28], $0x1000, s10, s19, $0x38;
	[tilespmem:$0x10B00] =	vst v63  }
0x102: {  	s12 =	sshrl.u32 @!p0 s30, $0xA  }
0x103: {  	s12 =	sand.u32 @!p0 $0x3F, s12  }
0x104: {  	s14 =	sadd.s32 $0x5B00, s29;
	s12 =	smul.u32 @!p0 $0x6, s12  }
0x105: {  	[hbm4b:s13+s19] =	stream.strided.scatter [tilespmem:s14], [sflag:s28], $0x1000, s10, s19, $0x38;
	[tilespmem:$0x10B00] =	vst v63  }
0x106: {  	s30 =	smul.u32 $0xAB, s0;
	s12 =	ssub.s32 @!p0 s11, s12  }
0x107: {  	s12 =	sand.u32 @!p0 $0xFF, s12  }
0x108: {  	s13 =	sshrl.u32 s30, $0xA;
	s14 =	sadd.s32 @!p0 $0x7, s12  }
0x109: {  	p1 =	por p1, p1;
	s31 =	sand.u32 $0x3F, s13;
	_ =	swait.ge @!p0 [sflag:s14], $0x1000  }
0x10a: {  	s11 =	smov.u32 @p3 s12;
	s12 =	smul.u32 $0x6, s31;
	[sflag:s14] =	ssyncset.done @!p0 $0x0  }
0x10b: {  	s13 =	sshll.u32 @!p1 s11, $0xD;
	s11 =	sadd.s32 @!p1 $0x1, s11;
	[sflag:s14] =	ssyncadd.s32 @!p0 $0xFFFFF000  }
0x10c: {  	s13 =	sand.u32 @!p1 $0x3FFFE000, s13;
	s15 =	ssub.s32 s0, s12;
	_ =	swait.ge @!p0 [sflag:s14], $0x1000  }
0x10d: {  	s12 =	simm.s32 @!p1 $0x80;
	s0 =	sand.u32 $0xFF, s15;
	[sflag:s14] =	ssyncset.done @!p0 $0x0  }
0x10e: {  	s13 =	sadd.s32 @!p1 $0x4B00, s13;
	s16 =	sadd.s32 $0x1, s0;
	[sflag:s14] =	ssyncadd.s32 @!p0 $0xFFFFF000  }
0x10f: {  	[tilespmem:s13], [sflag:s11] =	stream.indirect.gather @!p1 [hbm4b:s3+s12], $0x40, s1, s12, $0xb8;
	[tilespmem:$0x10B00] =	vst v63  }
0x110: {  	s28 =	sadd.s32 $0x400, s9;
	_ =	swait.ge [sflag:s16], $0x2000  }
0x111: {  	s9 =	sadd.s32 $0xFFFFFFF8, s28;
	s29 =	sshll.u32 s0, $0xD;
	[sflag:s16] =	ssyncset.done $0x0  }
0x112: {  	s0 =	sadd.s32 $0x7, s0;
	s30 =	sadd.s32 $0x4B00, s29;
	[sflag:s16] =	ssyncadd.s32 $0xFFFFE000  }
0x113: {  	[hbm4b:s9+s19] =	stream.strided.scatter [tilespmem:s30], [sflag:s0], $0x1000, s10, s19, $0x38;
	[tilespmem:$0x10B00] =	vst v63  }
0x114: {  	s31 =	sadd.s32 $0x5B00, s29  }
0x115: {  	[hbm4b:s28+s19] =	stream.strided.scatter [tilespmem:s31], [sflag:s0], $0x1000, s10, s19, $0x38;
	[tilespmem:$0x10B00] =	vst v63  }
0x116: {  	_ =	swait.ge [sflag:s20], $0x1000  }
0x117: {  	[sflag:s20] =	ssyncset.done $0x0  }
0x118: {  	[sflag:s20] =	ssyncadd.s32 $0xFFFFF000  }
0x119: {  	_ =	swait.ge [sflag:s20], $0x1000  }
0x11a: {  	[sflag:s20] =	ssyncset.done $0x0  }
0x11b: {  	[sflag:s20] =	ssyncadd.s32 $0xFFFFF000  }
0x11c: {  	_ =	swait.ge [sflag:s21], $0x1000  }
0x11d: {  	[sflag:s21] =	ssyncset.done $0x0  }
0x11e: {  	[sflag:s21] =	ssyncadd.s32 $0xFFFFF000  }
0x11f: {  	_ =	swait.ge [sflag:s21], $0x1000  }
0x120: {  	[sflag:s21] =	ssyncset.done $0x0  }
0x121: {  	[sflag:s21] =	ssyncadd.s32 $0xFFFFF000  }
0x122: {  	_ =	swait.ge [sflag:s22], $0x1000  }
0x123: {  	[sflag:s22] =	ssyncset.done $0x0  }
0x124: {  	[sflag:s22] =	ssyncadd.s32 $0xFFFFF000  }
0x125: {  	_ =	swait.ge [sflag:s22], $0x1000  }
0x126: {  	[sflag:s22] =	ssyncset.done $0x0  }
0x127: {  	[sflag:s22] =	ssyncadd.s32 $0xFFFFF000  }
0x128: {  	_ =	swait.ge [sflag:s23], $0x1000  }
0x129: {  	[sflag:s23] =	ssyncset.done $0x0  }
0x12a: {  	[sflag:s23] =	ssyncadd.s32 $0xFFFFF000  }
0x12b: {  	_ =	swait.ge [sflag:s23], $0x1000  }
0x12c: {  	[sflag:s23] =	ssyncset.done $0x0  }
0x12d: {  	[sflag:s23] =	ssyncadd.s32 $0xFFFFF000  }
0x12e: {  	_ =	swait.ge [sflag:s24], $0x1000  }
0x12f: {  	[sflag:s24] =	ssyncset.done $0x0  }
0x130: {  	[sflag:s24] =	ssyncadd.s32 $0xFFFFF000  }
0x131: {  	_ =	swait.ge [sflag:s24], $0x1000  }
0x132: {  	[sflag:s24] =	ssyncset.done $0x0  }
0x133: {  	s26 =	sadd.s32 $0x1, s26;
	[sflag:s24] =	ssyncadd.s32 $0xFFFFF000  }
0x134: {  	p0 =	sne.s32 s26, s6;
	_ =	swait.ge [sflag:s25], $0x1000  }
.Ltmp2:
0x135: {  	[sflag:s25] =	ssyncset.done $0x0;
	(pc) =	sbr.rel @p0 .LBB2_1-.Ltmp2, $4  }
0x136: {  	[sflag:s25] =	ssyncadd.s32 $0xFFFFF000  }
0x137: {  	_ =	swait.ge [sflag:s25], $0x1000  }
0x138: {  	[sflag:s25] =	ssyncset.done $0x0  }
0x139: {  	[sflag:s25] =	ssyncadd.s32 $0xFFFFF000  }
0x13a: {  	_ =	sfence.sel $0x180000  }
0x13b: {  	[bflag:$0x0] =	sbarrier.arrive $0xFFFF  }
0x13c: {  	_ =	strace $0x90000047  }
0x13d: {  	s0 =	stileid.u32;
	[bflag:$0x2] =	sbarrier.arrive $0xFFFF  }
0x13e: {  	p0 =	sne.s32 s0, $0x0;
	s0 =	rddreg [dreg:$0x1]  }
0x13f: {  	s0 =	sadd.s32 @!p0 $0x100000, s0  }
0x140: {  	[sflag:s0] =	ssyncadd.tile.s32 @!p0 $0x1;
	_ =	shalt  }
.Lfunc_end2:
_tile_overlayer_lowered:
.L_overlay_start_2:
0x141: {  	(tag) =	ssettag $0x2  }
0x142: {  	s0 =	rddreg [dreg:$0x0];
	s2 =	stileid.u32  }
0x143: {  	s1 =	rddreg [dreg:$0x1];
	p0 =	sne.s32 s2, $0x0  }
0x144: {  	s3 =	rddreg [dreg:$0x2];
	[bflag:$0x3] =	sbarrier.arrive $0xFFFF;
	s2 =	simm.s32 @!p0 $0x1C0D  }
0x145: {  	[timem:s3], [sflag:s2] =	dma.local @!p0 [hbm:s0], s1  }
0x146: {  	s0 =	simm.s32 @!p0 $0xD  }
0x147: {  	_ =	swait.ge @!p0 [sflag:s0], s1  }
0x148: {  	s1 =	ssub.s32 @!p0 $0x0, s1;
	[sflag:s0] =	ssyncset.done @!p0 $0x0  }
0x149: {  	[sflag:s0] =	ssyncadd.s32 @!p0 s1  }
0x14a: {  	[bflag:$0x3] =	sbarrier.arrive $0xFFFF  }
0x14b: {  	_ =	shalt  }

</sc_bundles>
